<compile_context>
chip_gen: v7x
topology: tpu7x:2x2x1
jax: 0.10.2.dev20260603
libtpu: 0.0.44.dev20260713+nightly
codegen_flags: <defaults>
</compile_context>

<pallas_src>
import functools
import jax
import jax.numpy as jnp
from jax import lax
from jax.experimental import pallas as pl
from jax.experimental.pallas import tpu as pltpu
from jax.experimental.pallas import tpu_sc as plsc

N_NODES = 10000
N_EDGES = 320000
D = 128
N_GRAPHS = 64

NC = 2
NS = 16
NW = NC * NS

EDGES_PER_TILE = N_EDGES // NW
CHUNK = 80
NCHUNKS = EDGES_PER_TILE // CHUNK
ACC_ROWS = 10240
ROWS_PER_TILE = ACC_ROWS // NS

ROW_BLK = 1000
NBLK = N_NODES // ROW_BLK

@functools.lru_cache(maxsize=None)
def _sc_mesh():
  return plsc.VectorSubcoreMesh(
      core_axis_name="c", subcore_axis_name="s", num_cores=NC, num_subcores=NS)



def _deg_body(dst_hbm, ones_hbm, zeros_hbm, out_hbm,
              ones_v, dst_v0, dst_v1, d_sem0, d_sem1, acc):
  c = lax.axis_index("c")
  s = lax.axis_index("s")
  wid = s * NC + c
  base = wid * EDGES_PER_TILE
  dst_v = (dst_v0, dst_v1)
  d_sem = (d_sem0, d_sem1)
  pltpu.sync_copy(ones_hbm, ones_v)
  pltpu.sync_copy(zeros_hbm, acc.at[pl.ds(s * ROWS_PER_TILE, ROWS_PER_TILE)])
  plsc.subcore_barrier()

  dst0 = pltpu.async_copy(dst_hbm.at[pl.ds(base, CHUNK)], dst_v[0], d_sem[0])
  dst0.wait()

  def step(j, carry):
    for b in (0, 1):
      cidx = 2 * j + b
      nxt = pltpu.async_copy(
          dst_hbm.at[pl.ds(base + (cidx + 1) * CHUNK, CHUNK)],
          dst_v[1 - b], d_sem[1 - b])
      pltpu.sync_copy(ones_v, acc.at[dst_v[b]], add=True)
      nxt.wait()
    return carry

  lax.fori_loop(0, NCHUNKS // 2, step, 0)
  pltpu.sync_copy(ones_v, acc.at[dst_v[0]], add=True)
  plsc.subcore_barrier()
  pltpu.sync_copy(acc.at[pl.ds(s * ROWS_PER_TILE, ROWS_PER_TILE)],
                  out_hbm.at[c, pl.ds(s * ROWS_PER_TILE, ROWS_PER_TILE)])


@functools.lru_cache(maxsize=None)
def _deg_kernel():
  return pl.kernel(
      _deg_body,
      out_type=jax.ShapeDtypeStruct((NC, ACC_ROWS, D), jnp.float32),
      mesh=_sc_mesh(),
      scratch_types=[
          pltpu.VMEM((CHUNK, D), jnp.float32),
          pltpu.VMEM((CHUNK,), jnp.int32),
          pltpu.VMEM((CHUNK,), jnp.int32),
          pltpu.SemaphoreType.DMA,
          pltpu.SemaphoreType.DMA,
          pltpu.VMEM_SHARED((ACC_ROWS, D), jnp.float32),
      ])


def _seg_body(y_hbm, src_hbm, dst_hbm, zeros_hbm, out_hbm,
              src_all, dst_v0, dst_v1, rows_v0, rows_v1,
              sp_sem, d_sem0, d_sem1, g_sem0, g_sem1, acc):
  c = lax.axis_index("c")
  s = lax.axis_index("s")
  wid = s * NC + c
  base = wid * EDGES_PER_TILE
  dst_v = (dst_v0, dst_v1)
  rows_v = (rows_v0, rows_v1)
  d_sem = (d_sem0, d_sem1)
  g_sem = (g_sem0, g_sem1)

  sp = pltpu.async_copy(src_hbm.at[wid], src_all, sp_sem)
  pltpu.sync_copy(zeros_hbm, acc.at[pl.ds(s * ROWS_PER_TILE, ROWS_PER_TILE)])
  sp.wait()
  plsc.subcore_barrier()

  def prefetch(cidx, b):
    d = pltpu.async_copy(dst_hbm.at[pl.ds(base + cidx * CHUNK, CHUNK)],
                         dst_v[b], d_sem[b])
    g = pltpu.async_copy(y_hbm.at[src_all.at[cidx]], rows_v[b], g_sem[b])
    return d, g

  d, g = prefetch(0, 0)
  d.wait()
  g.wait()

  def step(j, carry):
    for b in (0, 1):
      cidx = 2 * j + b
      d, g = prefetch(cidx + 1, 1 - b)
      pltpu.sync_copy(rows_v[b], acc.at[dst_v[b]], add=True)
      d.wait()
      g.wait()
    return carry

  lax.fori_loop(0, NCHUNKS // 2, step, 0)
  pltpu.sync_copy(rows_v[0], acc.at[dst_v[0]], add=True)
  plsc.subcore_barrier()
  pltpu.sync_copy(acc.at[pl.ds(s * ROWS_PER_TILE, ROWS_PER_TILE)],
                  out_hbm.at[c, pl.ds(s * ROWS_PER_TILE, ROWS_PER_TILE)])


@functools.lru_cache(maxsize=None)
def _seg_kernel():
  return pl.kernel(
      _seg_body,
      out_type=jax.ShapeDtypeStruct((NC, ACC_ROWS, D), jnp.float32),
      mesh=_sc_mesh(),
      scratch_types=[
          pltpu.VMEM((NCHUNKS, CHUNK), jnp.int32),
          pltpu.VMEM((CHUNK,), jnp.int32),
          pltpu.VMEM((CHUNK,), jnp.int32),
          pltpu.VMEM((CHUNK, D), jnp.float32),
          pltpu.VMEM((CHUNK, D), jnp.float32),
          pltpu.SemaphoreType.DMA,
          pltpu.SemaphoreType.DMA,
          pltpu.SemaphoreType.DMA,
          pltpu.SemaphoreType.DMA,
          pltpu.SemaphoreType.DMA,
          pltpu.VMEM_SHARED((ACC_ROWS, D), jnp.float32),
      ])



def _dinv(deg_blk):
  return lax.rsqrt(deg_blk[0] + deg_blk[1] + 1.0)


def _tcA_body(x_ref, w_ref, deg_ref, y_ref):
  y_ref[...] = jnp.dot(x_ref[...], w_ref[...],
                       preferred_element_type=jnp.float32) * _dinv(deg_ref[...])


def _tcC_body(s_ref, y_ref, deg_ref, b_ref, w_ref, y2_ref):
  dinv = _dinv(deg_ref[...])
  h = s_ref[0] + s_ref[1] + y_ref[...]
  h = jnp.maximum(dinv * h + b_ref[...], 0.0)
  y2_ref[...] = jnp.dot(h, w_ref[...],
                        preferred_element_type=jnp.float32) * dinv


def _tcD_body(s_ref, y_ref, deg_ref, b_ref, batch_ref,
              wo1_ref, bo1_ref, wo2_ref, bo2_ref, out_ref, g_acc, cnt_acc):
  i = pl.program_id(0)

  @pl.when(i == 0)
  def _():
    g_acc[...] = jnp.zeros_like(g_acc)
    cnt_acc[...] = jnp.zeros_like(cnt_acc)

  dinv = _dinv(deg_ref[...])
  h = s_ref[0] + s_ref[1] + y_ref[...]
  h = jnp.maximum(dinv * h + b_ref[...], 0.0)
  b = batch_ref[0, 0, :]
  pt = (b[None, :] == lax.broadcasted_iota(jnp.int32, (N_GRAPHS, ROW_BLK), 0)
        ).astype(jnp.float32)
  g_acc[...] += lax.dot_general(pt, h, (((1,), (0,)), ((), ())),
                                preferred_element_type=jnp.float32)
  cnt_acc[...] += jnp.broadcast_to(jnp.sum(pt, axis=1)[:, None], (N_GRAPHS, D))

  @pl.when(i == NBLK - 1)
  def _():
    g = g_acc[...] / jnp.maximum(cnt_acc[...], 1.0)
    g = jnp.maximum(
        jnp.dot(g, wo1_ref[...], preferred_element_type=jnp.float32)
        + bo1_ref[...], 0.0)
    out_ref[...] = jnp.dot(g, wo2_ref[...],
                           preferred_element_type=jnp.float32) + bo2_ref[...]


_row_spec = pl.BlockSpec((ROW_BLK, D), lambda i: (i, 0))
_seg_spec = pl.BlockSpec((NC, ROW_BLK, D), lambda i: (0, i, 0))
_deg_spec = pl.BlockSpec((NC, ROW_BLK, D), lambda i: (0, i, 0))
_w_spec = pl.BlockSpec((D, D), lambda i: (0, 0))
_b_spec = pl.BlockSpec((1, D), lambda i: (0, 0))

_tcA = pl.pallas_call(
    _tcA_body, grid=(NBLK,),
    in_specs=[_row_spec, _w_spec, _deg_spec],
    out_specs=_row_spec,
    out_shape=jax.ShapeDtypeStruct((N_NODES, D), jnp.float32))

_tcC = pl.pallas_call(
    _tcC_body, grid=(NBLK,),
    in_specs=[_seg_spec, _row_spec, _deg_spec, _b_spec, _w_spec],
    out_specs=_row_spec,
    out_shape=jax.ShapeDtypeStruct((N_NODES, D), jnp.float32))

_tcD = pl.pallas_call(
    _tcD_body, grid=(NBLK,),
    in_specs=[_seg_spec, _row_spec, _deg_spec, _b_spec,
              pl.BlockSpec((1, 1, ROW_BLK), lambda i: (i, 0, 0)),
              _w_spec, _b_spec, _w_spec, _b_spec],
    out_specs=pl.BlockSpec((N_GRAPHS, D), lambda i: (0, 0)),
    out_shape=jax.ShapeDtypeStruct((N_GRAPHS, D), jnp.float32),
    scratch_shapes=[pltpu.VMEM((N_GRAPHS, D), jnp.float32),
                    pltpu.VMEM((N_GRAPHS, D), jnp.float32)])


def kernel(x, edge_index, batch, W1, b1, W2, b2, Wo1, bo1, Wo2, bo2):
  src = edge_index[0].astype(jnp.int32)
  dst = edge_index[1].astype(jnp.int32)
  batch3 = batch.astype(jnp.int32).reshape(NBLK, 1, ROW_BLK)
  zeros128 = jnp.zeros((ROWS_PER_TILE, D), jnp.float32)
  ones128 = jnp.ones((CHUNK, D), jnp.float32)
  b1r = b1.reshape(1, D)
  b2r = b2.reshape(1, D)
  bo1r = bo1.reshape(1, D)
  bo2r = bo2.reshape(1, D)

  src3 = src.reshape(NW, NCHUNKS, CHUNK)
  deg = _deg_kernel()(dst, ones128, zeros128)
  y1 = _tcA(x, W1, deg)
  s1 = _seg_kernel()(y1, src3, dst, zeros128)
  y2 = _tcC(s1, y1, deg, b1r, W2)
  s2 = _seg_kernel()(y2, src3, dst, zeros128)
  return _tcD(s2, y2, deg, b2r, batch3, Wo1, bo1r, Wo2, bo2r)

# --- scband reference (transcript-rebuilt; emitter-appended) ---
"""Pipeline reference for scband-gnnmodel-62904091017570 (READ-ONLY COPY).

The authoritative reference and input builder live on the scoring server;
editing this copy changes nothing except your own understanding.
"""

import jax, jax.numpy as jnp
import numpy as np

N_NODES = 10000
N_EDGES = 320000
D_IN = 128
D_HID = 128
D_OUT = 128
N_GRAPHS = 64


def gcn_conv(x, src, dst, W, b, num_nodes):
    # PyG GCNConv: linear transform, add self-loops, sym-normalize, scatter-add
    x = x @ W
    loop = jnp.arange(num_nodes, dtype=src.dtype)
    src_sl = jnp.concatenate([src, loop])
    dst_sl = jnp.concatenate([dst, loop])
    ones = jnp.ones(src_sl.shape[0], dtype=x.dtype)
    deg = jax.ops.segment_sum(ones, dst_sl, num_segments=num_nodes)
    deg_inv_sqrt = jnp.where(deg > 0, jax.lax.rsqrt(deg), 0.0)
    norm = deg_inv_sqrt[src_sl] * deg_inv_sqrt[dst_sl]
    msgs = x[src_sl] * norm[:, None]
    out = jax.ops.segment_sum(msgs, dst_sl, num_segments=num_nodes)
    return out + b


def global_mean_pool(x, batch, num_graphs):
    sums = jax.ops.segment_sum(x, batch, num_segments=num_graphs)
    counts = jax.ops.segment_sum(jnp.ones(x.shape[0], dtype=x.dtype), batch, num_segments=num_graphs)
    return sums / jnp.clip(counts, 1.0)[:, None]


def setup_inputs(seed: int = 0) -> dict:
    key = jax.random.key(seed)
    ks = jax.random.split(key, 12)
    x = jax.random.normal(ks[0], (N_NODES, D_IN), dtype=jnp.float32)
    edge_index = jax.random.randint(ks[1], (2, N_EDGES), 0, N_NODES, dtype=jnp.int64)
    batch = jnp.sort(jax.random.randint(ks[2], (N_NODES,), 0, N_GRAPHS, dtype=jnp.int64))
    s1 = 1.0 / np.sqrt(D_IN)
    s2 = 1.0 / np.sqrt(D_HID)
    W1 = jax.random.uniform(ks[3], (D_IN, D_HID), jnp.float32, -s1, s1)
    b1 = jnp.zeros((D_HID,), jnp.float32)
    W2 = jax.random.uniform(ks[4], (D_HID, D_HID), jnp.float32, -s2, s2)
    b2 = jnp.zeros((D_HID,), jnp.float32)
    Wo1 = jax.random.uniform(ks[5], (D_HID, D_HID), jnp.float32, -s2, s2)
    bo1 = jax.random.uniform(ks[6], (D_HID,), jnp.float32, -s2, s2)
    Wo2 = jax.random.uniform(ks[7], (D_HID, D_OUT), jnp.float32, -s2, s2)
    bo2 = jax.random.uniform(ks[8], (D_OUT,), jnp.float32, -s2, s2)
    return {"x": x, "edge_index": edge_index, "batch": batch,
            "W1": W1, "b1": b1, "W2": W2, "b2": b2,
            "Wo1": Wo1, "bo1": bo1, "Wo2": Wo2, "bo2": bo2}


def reference(x, edge_index, batch, W1, b1, W2, b2, Wo1, bo1, Wo2, bo2):
    src, dst = edge_index[0], edge_index[1]
    h = gcn_conv(x, src, dst, W1, b1, N_NODES)
    h = jax.nn.relu(h)
    h = gcn_conv(h, src, dst, W2, b2, N_NODES)
    h = jax.nn.relu(h)
    g = global_mean_pool(h, batch, N_GRAPHS)
    g = jax.nn.relu(g @ Wo1 + bo1)
    g = g @ Wo2 + bo2
    # Dropout(0.2) is identity in eval mode
    return g

if __name__ == "__main__":
    import jax
    _d = setup_inputs()
    print(jax.jit(kernel)(*tuple(_d.values())))

</pallas_src>

<mosaic_0001>
#map = affine_map<(d0, d1) -> (0)>
#map1 = affine_map<(d0, d1) -> (0, 0)>
#map2 = affine_map<(d0, d1) -> (0, 0, 0)>
module attributes {stable_mosaic.version = 14 : i64} {
  func.func @_deg_body(%arg0: i32, %arg1: i32, %arg2: memref<320000xi32, #tpu.memory_space<hbm>>, %arg3: memref<80x128xf32, #tpu.memory_space<hbm>>, %arg4: memref<640x128xf32, #tpu.memory_space<hbm>>, %arg5: memref<2x10240x128xf32, #tpu.memory_space<hbm>>, %arg6: memref<80x128xf32, #tpu.memory_space<vmem>>, %arg7: memref<80xi32, #tpu.memory_space<vmem>>, %arg8: memref<80xi32, #tpu.memory_space<vmem>>, %arg9: memref<!tpu.dma_semaphore, #tpu.memory_space<semaphore_mem>>, %arg10: memref<!tpu.dma_semaphore, #tpu.memory_space<semaphore_mem>>, %arg11: memref<10240x128xf32, #tpu.memory_space<vmem_shared>>) attributes {dimension_semantics = [#tpu.dimension_semantics<core_parallel>, #tpu.dimension_semantics<subcore_parallel>], iteration_bounds = array<i64: 2, 16>, scalar_prefetch = 0 : i64, scratch_operands = 6 : i64, tpu.core_type = #tpu.core_type<sc_vector_subcore>, window_params = [{transform_indices = #map}, {transform_indices = #map1}, {transform_indices = #map1}, {transform_indices = #map2}]} {
    %mul3A = arith.constant 2 : i32
    %mul3A_0 = arith.muli %arg1, %mul3A : i32
    %add3A = arith.addi %mul3A_0, %arg0 : i32
    %mul3A_1 = arith.constant 10000 : i32
    %mul3A_2 = arith.muli %add3A, %mul3A_1 : i32
    "tpu.region"() ({
      %run_scoped3A = tpu.sem_alloc : memref<!tpu.dma_semaphore, #tpu.memory_space<semaphore_mem>>
      tpu.enqueue_dma source(%arg3 : memref<80x128xf32, #tpu.memory_space<hbm>>) target(%arg6 : memref<80x128xf32, #tpu.memory_space<vmem>>) target_semaphore(%run_scoped3A : memref<!tpu.dma_semaphore, #tpu.memory_space<semaphore_mem>>)
      tpu.wait_dma2 semaphore(%run_scoped3A : memref<!tpu.dma_semaphore, #tpu.memory_space<semaphore_mem>>) src(%arg3 : memref<80x128xf32, #tpu.memory_space<hbm>>) dst(%arg6 : memref<80x128xf32, #tpu.memory_space<vmem>>)
      tpu.yield
    }) : () -> ()
    %mul3A_3 = arith.constant 640 : i32
    %mul3A_4 = arith.muli %arg1, %mul3A_3 : i32
    "tpu.region"() ({
      %run_scoped3A = tpu.sem_alloc : memref<!tpu.dma_semaphore, #tpu.memory_space<semaphore_mem>>
      %dma_start3A_17 = arith.constant 0 : i32
      %dma_start3A_18 = tpu.memref_slice %arg11[%mul3A_4, %dma_start3A_17] : memref<10240x128xf32, #tpu.memory_space<vmem_shared>> -> memref<640x128xf32, #tpu.memory_space<vmem_shared>>
      tpu.enqueue_dma source(%arg4 : memref<640x128xf32, #tpu.memory_space<hbm>>) target(%dma_start3A_18 : memref<640x128xf32, #tpu.memory_space<vmem_shared>>) target_semaphore(%run_scoped3A : memref<!tpu.dma_semaphore, #tpu.memory_space<semaphore_mem>>)
      %dma_wait3A_19 = arith.constant 0 : i32
      %dma_wait3A_20 = tpu.memref_slice %arg11[%mul3A_4, %dma_wait3A_19] : memref<10240x128xf32, #tpu.memory_space<vmem_shared>> -> memref<640x128xf32, #tpu.memory_space<vmem_shared>>
      tpu.wait_dma2 semaphore(%run_scoped3A : memref<!tpu.dma_semaphore, #tpu.memory_space<semaphore_mem>>) src(%arg4 : memref<640x128xf32, #tpu.memory_space<hbm>>) dst(%dma_wait3A_20 : memref<640x128xf32, #tpu.memory_space<vmem_shared>>)
      tpu.yield
    }) : () -> ()
    %barrier3A = arith.constant 0 : index
    tpu.barrier barrier_id(%barrier3A)
    %dma_start3A = tpu.memref_slice %arg2[%mul3A_2] : memref<320000xi32, #tpu.memory_space<hbm>> -> memref<80xi32, #tpu.memory_space<hbm>>
    %dma_start3A_5 = tpu.memref_slice %arg2[%mul3A_2] : memref<320000xi32, #tpu.memory_space<hbm>> -> memref<80xi32, #tpu.memory_space<hbm>>
    tpu.enqueue_dma source(%dma_start3A_5 : memref<80xi32, #tpu.memory_space<hbm>>) target(%arg7 : memref<80xi32, #tpu.memory_space<vmem>>) target_semaphore(%arg9 : memref<!tpu.dma_semaphore, #tpu.memory_space<semaphore_mem>>)
    %dma_wait3A = tpu.memref_slice %arg2[%mul3A_2] : memref<320000xi32, #tpu.memory_space<hbm>> -> memref<80xi32, #tpu.memory_space<hbm>>
    %dma_wait3A_6 = tpu.memref_slice %arg2[%mul3A_2] : memref<320000xi32, #tpu.memory_space<hbm>> -> memref<80xi32, #tpu.memory_space<hbm>>
    tpu.wait_dma2 semaphore(%arg9 : memref<!tpu.dma_semaphore, #tpu.memory_space<semaphore_mem>>) src(%dma_wait3A_6 : memref<80xi32, #tpu.memory_space<hbm>>) dst(%arg7 : memref<80xi32, #tpu.memory_space<vmem>>)
    %scan3A = arith.constant 0 : i32
    %scan3A_7 = arith.constant 0 : i32
    %scan3A_8 = arith.constant 62 : i32
    %scan3A_9 = arith.addi %scan3A_7, %scan3A_8 : i32
    %scan3A_10 = arith.constant 1 : i32
    scf.for %scan3A_17 = %scan3A_7 to %scan3A_9 step %scan3A_10  : i32 {
      %mul3A_18 = arith.constant 2 : i32
      %mul3A_19 = arith.muli %mul3A_18, %scan3A_17 : i32
      %add3A_20 = arith.constant 0 : i32
      %add3A_21 = arith.addi %mul3A_19, %add3A_20 : i32
      %add3A_22 = arith.constant 1 : i32
      %add3A_23 = arith.addi %add3A_21, %add3A_22 : i32
      %mul3A_24 = arith.constant 80 : i32
      %mul3A_25 = arith.muli %add3A_23, %mul3A_24 : i32
      %add3A_26 = arith.addi %mul3A_2, %mul3A_25 : i32
      %dma_start3A_27 = tpu.memref_slice %arg2[%add3A_26] : memref<320000xi32, #tpu.memory_space<hbm>> -> memref<80xi32, #tpu.memory_space<hbm>>
      %dma_start3A_28 = tpu.memref_slice %arg2[%add3A_26] : memref<320000xi32, #tpu.memory_space<hbm>> -> memref<80xi32, #tpu.memory_space<hbm>>
      tpu.enqueue_dma source(%dma_start3A_28 : memref<80xi32, #tpu.memory_space<hbm>>) target(%arg8 : memref<80xi32, #tpu.memory_space<vmem>>) target_semaphore(%arg10 : memref<!tpu.dma_semaphore, #tpu.memory_space<semaphore_mem>>)
      "tpu.region"() ({
        %run_scoped3A = tpu.sem_alloc : memref<!tpu.dma_semaphore, #tpu.memory_space<semaphore_mem>>
        %dma_start3A_44 = arith.constant 0 : i32
        %dma_start3A_45 = arith.constant 0 : i32
        %dma_start3A_46 = tpu.memref_slice %arg11[%dma_start3A_44, %dma_start3A_45] : memref<10240x128xf32, #tpu.memory_space<vmem_shared>> -> memref<10240x128xf32, #tpu.memory_space<vmem_shared>>
        tpu.enqueue_indirect_dma source(%arg6 : memref<80x128xf32, #tpu.memory_space<vmem>>) target(%dma_start3A_46 : memref<10240x128xf32, #tpu.memory_space<vmem_shared>>) offsets(%arg7 : memref<80xi32, #tpu.memory_space<vmem>>) semaphore(%run_scoped3A : memref<!tpu.dma_semaphore, #tpu.memory_space<semaphore_mem>>) {add = true}
        %dma_wait3A_47 = arith.constant 0 : i32
        %dma_wait3A_48 = arith.constant 0 : i32
        %dma_wait3A_49 = tpu.memref_slice %arg11[%dma_wait3A_47, %dma_wait3A_48] : memref<10240x128xf32, #tpu.memory_space<vmem_shared>> -> memref<10240x128xf32, #tpu.memory_space<vmem_shared>>
        tpu.wait_indirect_dma semaphore(%run_scoped3A : memref<!tpu.dma_semaphore, #tpu.memory_space<semaphore_mem>>) src(%arg6 : memref<80x128xf32, #tpu.memory_space<vmem>>) dst(%dma_wait3A_49 : memref<10240x128xf32, #tpu.memory_space<vmem_shared>>)
        tpu.yield
      }) : () -> ()
      %dma_wait3A_29 = tpu.memref_slice %arg2[%add3A_26] : memref<320000xi32, #tpu.memory_space<hbm>> -> memref<80xi32, #tpu.memory_space<hbm>>
      %dma_wait3A_30 = tpu.memref_slice %arg2[%add3A_26] : memref<320000xi32, #tpu.memory_space<hbm>> -> memref<80xi32, #tpu.memory_space<hbm>>
      tpu.wait_dma2 semaphore(%arg10 : memref<!tpu.dma_semaphore, #tpu.memory_space<semaphore_mem>>) src(%dma_wait3A_30 : memref<80xi32, #tpu.memory_space<hbm>>) dst(%arg8 : memref<80xi32, #tpu.memory_space<vmem>>)
      %mul3A_31 = arith.constant 2 : i32
      %mul3A_32 = arith.muli %mul3A_31, %scan3A_17 : i32
      %add3A_33 = arith.constant 1 : i32
      %add3A_34 = arith.addi %mul3A_32, %add3A_33 : i32
      %add3A_35 = arith.constant 1 : i32
      %add3A_36 = arith.addi %add3A_34, %add3A_35 : i32
      %mul3A_37 = arith.constant 80 : i32
      %mul3A_38 = arith.muli %add3A_36, %mul3A_37 : i32
      %add3A_39 = arith.addi %mul3A_2, %mul3A_38 : i32
      %dma_start3A_40 = tpu.memref_slice %arg2[%add3A_39] : memref<320000xi32, #tpu.memory_space<hbm>> -> memref<80xi32, #tpu.memory_space<hbm>>
      %dma_start3A_41 = tpu.memref_slice %arg2[%add3A_39] : memref<320000xi32, #tpu.memory_space<hbm>> -> memref<80xi32, #tpu.memory_space<hbm>>
      tpu.enqueue_dma source(%dma_start3A_41 : memref<80xi32, #tpu.memory_space<hbm>>) target(%arg7 : memref<80xi32, #tpu.memory_space<vmem>>) target_semaphore(%arg9 : memref<!tpu.dma_semaphore, #tpu.memory_space<semaphore_mem>>)
      "tpu.region"() ({
        %run_scoped3A = tpu.sem_alloc : memref<!tpu.dma_semaphore, #tpu.memory_space<semaphore_mem>>
        %dma_start3A_44 = arith.constant 0 : i32
        %dma_start3A_45 = arith.constant 0 : i32
        %dma_start3A_46 = tpu.memref_slice %arg11[%dma_start3A_44, %dma_start3A_45] : memref<10240x128xf32, #tpu.memory_space<vmem_shared>> -> memref<10240x128xf32, #tpu.memory_space<vmem_shared>>
        tpu.enqueue_indirect_dma source(%arg6 : memref<80x128xf32, #tpu.memory_space<vmem>>) target(%dma_start3A_46 : memref<10240x128xf32, #tpu.memory_space<vmem_shared>>) offsets(%arg8 : memref<80xi32, #tpu.memory_space<vmem>>) semaphore(%run_scoped3A : memref<!tpu.dma_semaphore, #tpu.memory_space<semaphore_mem>>) {add = true}
        %dma_wait3A_47 = arith.constant 0 : i32
        %dma_wait3A_48 = arith.constant 0 : i32
        %dma_wait3A_49 = tpu.memref_slice %arg11[%dma_wait3A_47, %dma_wait3A_48] : memref<10240x128xf32, #tpu.memory_space<vmem_shared>> -> memref<10240x128xf32, #tpu.memory_space<vmem_shared>>
        tpu.wait_indirect_dma semaphore(%run_scoped3A : memref<!tpu.dma_semaphore, #tpu.memory_space<semaphore_mem>>) src(%arg6 : memref<80x128xf32, #tpu.memory_space<vmem>>) dst(%dma_wait3A_49 : memref<10240x128xf32, #tpu.memory_space<vmem_shared>>)
        tpu.yield
      }) : () -> ()
      %dma_wait3A_42 = tpu.memref_slice %arg2[%add3A_39] : memref<320000xi32, #tpu.memory_space<hbm>> -> memref<80xi32, #tpu.memory_space<hbm>>
      %dma_wait3A_43 = tpu.memref_slice %arg2[%add3A_39] : memref<320000xi32, #tpu.memory_space<hbm>> -> memref<80xi32, #tpu.memory_space<hbm>>
      tpu.wait_dma2 semaphore(%arg9 : memref<!tpu.dma_semaphore, #tpu.memory_space<semaphore_mem>>) src(%dma_wait3A_43 : memref<80xi32, #tpu.memory_space<hbm>>) dst(%arg7 : memref<80xi32, #tpu.memory_space<vmem>>)
    }
    %scan3A_11 = arith.constant 62 : i32
    "tpu.region"() ({
      %run_scoped3A = tpu.sem_alloc : memref<!tpu.dma_semaphore, #tpu.memory_space<semaphore_mem>>
      %dma_start3A_17 = arith.constant 0 : i32
      %dma_start3A_18 = arith.constant 0 : i32
      %dma_start3A_19 = tpu.memref_slice %arg11[%dma_start3A_17, %dma_start3A_18] : memref<10240x128xf32, #tpu.memory_space<vmem_shared>> -> memref<10240x128xf32, #tpu.memory_space<vmem_shared>>
      tpu.enqueue_indirect_dma source(%arg6 : memref<80x128xf32, #tpu.memory_space<vmem>>) target(%dma_start3A_19 : memref<10240x128xf32, #tpu.memory_space<vmem_shared>>) offsets(%arg7 : memref<80xi32, #tpu.memory_space<vmem>>) semaphore(%run_scoped3A : memref<!tpu.dma_semaphore, #tpu.memory_space<semaphore_mem>>) {add = true}
      %dma_wait3A_20 = arith.constant 0 : i32
      %dma_wait3A_21 = arith.constant 0 : i32
      %dma_wait3A_22 = tpu.memref_slice %arg11[%dma_wait3A_20, %dma_wait3A_21] : memref<10240x128xf32, #tpu.memory_space<vmem_shared>> -> memref<10240x128xf32, #tpu.memory_space<vmem_shared>>
      tpu.wait_indirect_dma semaphore(%run_scoped3A : memref<!tpu.dma_semaphore, #tpu.memory_space<semaphore_mem>>) src(%arg6 : memref<80x128xf32, #tpu.memory_space<vmem>>) dst(%dma_wait3A_22 : memref<10240x128xf32, #tpu.memory_space<vmem_shared>>)
      tpu.yield
    }) : () -> ()
    %barrier3A_12 = arith.constant 0 : index
    tpu.barrier barrier_id(%barrier3A_12)
    %mul3A_13 = arith.constant 640 : i32
    %mul3A_14 = arith.muli %arg1, %mul3A_13 : i32
    %mul3A_15 = arith.constant 640 : i32
    %mul3A_16 = arith.muli %arg1, %mul3A_15 : i32
    "tpu.region"() ({
      %run_scoped3A = tpu.sem_alloc : memref<!tpu.dma_semaphore, #tpu.memory_space<semaphore_mem>>
      %dma_start3A_17 = arith.constant 0 : i32
      %dma_start3A_18 = tpu.memref_slice %arg5[%arg0, %mul3A_16, %dma_start3A_17] : memref<2x10240x128xf32, #tpu.memory_space<hbm>> -> memref<1x640x128xf32, #tpu.memory_space<hbm>>
      %dma_start3A_19 = tpu.memref_squeeze %dma_start3A_18 : memref<1x640x128xf32, #tpu.memory_space<hbm>> -> memref<640x128xf32, #tpu.memory_space<hbm>>
      %dma_start3A_20 = arith.constant 0 : i32
      %dma_start3A_21 = tpu.memref_slice %arg11[%mul3A_14, %dma_start3A_20] : memref<10240x128xf32, #tpu.memory_space<vmem_shared>> -> memref<640x128xf32, #tpu.memory_space<vmem_shared>>
      tpu.enqueue_dma source(%dma_start3A_21 : memref<640x128xf32, #tpu.memory_space<vmem_shared>>) target(%dma_start3A_19 : memref<640x128xf32, #tpu.memory_space<hbm>>) target_semaphore(%run_scoped3A : memref<!tpu.dma_semaphore, #tpu.memory_space<semaphore_mem>>)
      %dma_wait3A_22 = arith.constant 0 : i32
      %dma_wait3A_23 = tpu.memref_slice %arg5[%arg0, %mul3A_16, %dma_wait3A_22] : memref<2x10240x128xf32, #tpu.memory_space<hbm>> -> memref<1x640x128xf32, #tpu.memory_space<hbm>>
      %dma_wait3A_24 = tpu.memref_squeeze %dma_wait3A_23 : memref<1x640x128xf32, #tpu.memory_space<hbm>> -> memref<640x128xf32, #tpu.memory_space<hbm>>
      %dma_wait3A_25 = arith.constant 0 : i32
      %dma_wait3A_26 = tpu.memref_slice %arg11[%mul3A_14, %dma_wait3A_25] : memref<10240x128xf32, #tpu.memory_space<vmem_shared>> -> memref<640x128xf32, #tpu.memory_space<vmem_shared>>
      tpu.wait_dma2 semaphore(%run_scoped3A : memref<!tpu.dma_semaphore, #tpu.memory_space<semaphore_mem>>) src(%dma_wait3A_26 : memref<640x128xf32, #tpu.memory_space<vmem_shared>>) dst(%dma_wait3A_24 : memref<640x128xf32, #tpu.memory_space<hbm>>)
      tpu.yield
    }) : () -> ()
    return
  }
}

#map = affine_map<(d0, d1) -> (0, 0)>
#map1 = affine_map<(d0, d1) -> (0, 0, 0)>
#map2 = affine_map<(d0, d1) -> (0)>
module attributes {stable_mosaic.version = 14 : i64} {
  func.func @_seg_body(%arg0: i32, %arg1: i32, %arg2: memref<10000x128xf32, #tpu.memory_space<hbm>>, %arg3: memref<32x125x80xi32, #tpu.memory_space<hbm>>, %arg4: memref<320000xi32, #tpu.memory_space<hbm>>, %arg5: memref<640x128xf32, #tpu.memory_space<hbm>>, %arg6: memref<2x10240x128xf32, #tpu.memory_space<hbm>>, %arg7: memref<125x80xi32, #tpu.memory_space<vmem>>, %arg8: memref<80xi32, #tpu.memory_space<vmem>>, %arg9: memref<80xi32, #tpu.memory_space<vmem>>, %arg10: memref<80x128xf32, #tpu.memory_space<vmem>>, %arg11: memref<80x128xf32, #tpu.memory_space<vmem>>, %arg12: memref<!tpu.dma_semaphore, #tpu.memory_space<semaphore_mem>>, %arg13: memref<!tpu.dma_semaphore, #tpu.memory_space<semaphore_mem>>, %arg14: memref<!tpu.dma_semaphore, #tpu.memory_space<semaphore_mem>>, %arg15: memref<!tpu.dma_semaphore, #tpu.memory_space<semaphore_mem>>, %arg16: memref<!tpu.dma_semaphore, #tpu.memory_space<semaphore_mem>>, %arg17: memref<10240x128xf32, #tpu.memory_space<vmem_shared>>) attributes {dimension_semantics = [#tpu.dimension_semantics<core_parallel>, #tpu.dimension_semantics<subcore_parallel>], iteration_bounds = array<i64: 2, 16>, scalar_prefetch = 0 : i64, scratch_operands = 11 : i64, tpu.core_type = #tpu.core_type<sc_vector_subcore>, window_params = [{transform_indices = #map}, {transform_indices = #map1}, {transform_indices = #map2}, {transform_indices = #map}, {transform_indices = #map1}]} {
    %mul3A = arith.constant 2 : i32
    %mul3A_0 = arith.muli %arg1, %mul3A : i32
    %add3A = arith.addi %mul3A_0, %arg0 : i32
    %mul3A_1 = arith.constant 10000 : i32
    %mul3A_2 = arith.muli %add3A, %mul3A_1 : i32
    %dma_start3A = arith.constant 0 : i32
    %dma_start3A_3 = arith.constant 0 : i32
    %dma_start3A_4 = tpu.memref_slice %arg3[%add3A, %dma_start3A, %dma_start3A_3] : memref<32x125x80xi32, #tpu.memory_space<hbm>> -> memref<1x125x80xi32, #tpu.memory_space<hbm>>
    %dma_start3A_5 = tpu.memref_squeeze %dma_start3A_4 : memref<1x125x80xi32, #tpu.memory_space<hbm>> -> memref<125x80xi32, #tpu.memory_space<hbm>>
    %dma_start3A_6 = arith.constant 0 : i32
    %dma_start3A_7 = arith.constant 0 : i32
    %dma_start3A_8 = tpu.memref_slice %arg3[%add3A, %dma_start3A_6, %dma_start3A_7] : memref<32x125x80xi32, #tpu.memory_space<hbm>> -> memref<1x125x80xi32, #tpu.memory_space<hbm>>
    %dma_start3A_9 = tpu.memref_squeeze %dma_start3A_8 : memref<1x125x80xi32, #tpu.memory_space<hbm>> -> memref<125x80xi32, #tpu.memory_space<hbm>>
    tpu.enqueue_dma source(%dma_start3A_9 : memref<125x80xi32, #tpu.memory_space<hbm>>) target(%arg7 : memref<125x80xi32, #tpu.memory_space<vmem>>) target_semaphore(%arg12 : memref<!tpu.dma_semaphore, #tpu.memory_space<semaphore_mem>>)
    %mul3A_10 = arith.constant 640 : i32
    %mul3A_11 = arith.muli %arg1, %mul3A_10 : i32
    "tpu.region"() ({
      %run_scoped3A = tpu.sem_alloc : memref<!tpu.dma_semaphore, #tpu.memory_space<semaphore_mem>>
      %dma_start3A_49 = arith.constant 0 : i32
      %dma_start3A_50 = tpu.memref_slice %arg17[%mul3A_11, %dma_start3A_49] : memref<10240x128xf32, #tpu.memory_space<vmem_shared>> -> memref<640x128xf32, #tpu.memory_space<vmem_shared>>
      tpu.enqueue_dma source(%arg5 : memref<640x128xf32, #tpu.memory_space<hbm>>) target(%dma_start3A_50 : memref<640x128xf32, #tpu.memory_space<vmem_shared>>) target_semaphore(%run_scoped3A : memref<!tpu.dma_semaphore, #tpu.memory_space<semaphore_mem>>)
      %dma_wait3A_51 = arith.constant 0 : i32
      %dma_wait3A_52 = tpu.memref_slice %arg17[%mul3A_11, %dma_wait3A_51] : memref<10240x128xf32, #tpu.memory_space<vmem_shared>> -> memref<640x128xf32, #tpu.memory_space<vmem_shared>>
      tpu.wait_dma2 semaphore(%run_scoped3A : memref<!tpu.dma_semaphore, #tpu.memory_space<semaphore_mem>>) src(%arg5 : memref<640x128xf32, #tpu.memory_space<hbm>>) dst(%dma_wait3A_52 : memref<640x128xf32, #tpu.memory_space<vmem_shared>>)
      tpu.yield
    }) : () -> ()
    %dma_wait3A = arith.constant 0 : i32
    %dma_wait3A_12 = arith.constant 0 : i32
    %dma_wait3A_13 = tpu.memref_slice %arg3[%add3A, %dma_wait3A, %dma_wait3A_12] : memref<32x125x80xi32, #tpu.memory_space<hbm>> -> memref<1x125x80xi32, #tpu.memory_space<hbm>>
    %dma_wait3A_14 = tpu.memref_squeeze %dma_wait3A_13 : memref<1x125x80xi32, #tpu.memory_space<hbm>> -> memref<125x80xi32, #tpu.memory_space<hbm>>
    %dma_wait3A_15 = arith.constant 0 : i32
    %dma_wait3A_16 = arith.constant 0 : i32
    %dma_wait3A_17 = tpu.memref_slice %arg3[%add3A, %dma_wait3A_15, %dma_wait3A_16] : memref<32x125x80xi32, #tpu.memory_space<hbm>> -> memref<1x125x80xi32, #tpu.memory_space<hbm>>
    %dma_wait3A_18 = tpu.memref_squeeze %dma_wait3A_17 : memref<1x125x80xi32, #tpu.memory_space<hbm>> -> memref<125x80xi32, #tpu.memory_space<hbm>>
    tpu.wait_dma2 semaphore(%arg12 : memref<!tpu.dma_semaphore, #tpu.memory_space<semaphore_mem>>) src(%dma_wait3A_18 : memref<125x80xi32, #tpu.memory_space<hbm>>) dst(%arg7 : memref<125x80xi32, #tpu.memory_space<vmem>>)
    %barrier3A = arith.constant 0 : index
    tpu.barrier barrier_id(%barrier3A)
    %add3A_19 = arith.constant 0 : i32
    %add3A_20 = arith.addi %mul3A_2, %add3A_19 : i32
    %dma_start3A_21 = tpu.memref_slice %arg4[%add3A_20] : memref<320000xi32, #tpu.memory_space<hbm>> -> memref<80xi32, #tpu.memory_space<hbm>>
    %dma_start3A_22 = tpu.memref_slice %arg4[%add3A_20] : memref<320000xi32, #tpu.memory_space<hbm>> -> memref<80xi32, #tpu.memory_space<hbm>>
    tpu.enqueue_dma source(%dma_start3A_22 : memref<80xi32, #tpu.memory_space<hbm>>) target(%arg8 : memref<80xi32, #tpu.memory_space<vmem>>) target_semaphore(%arg13 : memref<!tpu.dma_semaphore, #tpu.memory_space<semaphore_mem>>)
    %dma_start3A_23 = arith.constant 0 : i32
    %dma_start3A_24 = arith.constant 0 : i32
    %dma_start3A_25 = tpu.memref_slice %arg7[%dma_start3A_23, %dma_start3A_24] : memref<125x80xi32, #tpu.memory_space<vmem>> -> memref<1x80xi32, #tpu.memory_space<vmem>>
    %dma_start3A_26 = tpu.memref_squeeze %dma_start3A_25 : memref<1x80xi32, #tpu.memory_space<vmem>> -> memref<80xi32, #tpu.memory_space<vmem>>
    %dma_start3A_27 = arith.constant 0 : i32
    %dma_start3A_28 = arith.constant 0 : i32
    %dma_start3A_29 = tpu.memref_slice %arg2[%dma_start3A_27, %dma_start3A_28] : memref<10000x128xf32, #tpu.memory_space<hbm>> -> memref<10000x128xf32, #tpu.memory_space<hbm>>
    tpu.enqueue_indirect_dma source(%dma_start3A_29 : memref<10000x128xf32, #tpu.memory_space<hbm>>) target(%arg10 : memref<80x128xf32, #tpu.memory_space<vmem>>) offsets(%dma_start3A_26 : memref<80xi32, #tpu.memory_space<vmem>>) semaphore(%arg15 : memref<!tpu.dma_semaphore, #tpu.memory_space<semaphore_mem>>)
    %dma_wait3A_30 = tpu.memref_slice %arg4[%add3A_20] : memref<320000xi32, #tpu.memory_space<hbm>> -> memref<80xi32, #tpu.memory_space<hbm>>
    %dma_wait3A_31 = tpu.memref_slice %arg4[%add3A_20] : memref<320000xi32, #tpu.memory_space<hbm>> -> memref<80xi32, #tpu.memory_space<hbm>>
    tpu.wait_dma2 semaphore(%arg13 : memref<!tpu.dma_semaphore, #tpu.memory_space<semaphore_mem>>) src(%dma_wait3A_31 : memref<80xi32, #tpu.memory_space<hbm>>) dst(%arg8 : memref<80xi32, #tpu.memory_space<vmem>>)
    %dma_wait3A_32 = arith.constant 0 : i32
    %dma_wait3A_33 = arith.constant 0 : i32
    %dma_wait3A_34 = tpu.memref_slice %arg7[%dma_wait3A_32, %dma_wait3A_33] : memref<125x80xi32, #tpu.memory_space<vmem>> -> memref<1x80xi32, #tpu.memory_space<vmem>>
    %dma_wait3A_35 = tpu.memref_squeeze %dma_wait3A_34 : memref<1x80xi32, #tpu.memory_space<vmem>> -> memref<80xi32, #tpu.memory_space<vmem>>
    %dma_wait3A_36 = arith.constant 0 : i32
    %dma_wait3A_37 = arith.constant 0 : i32
    %dma_wait3A_38 = tpu.memref_slice %arg2[%dma_wait3A_36, %dma_wait3A_37] : memref<10000x128xf32, #tpu.memory_space<hbm>> -> memref<10000x128xf32, #tpu.memory_space<hbm>>
    tpu.wait_indirect_dma semaphore(%arg15 : memref<!tpu.dma_semaphore, #tpu.memory_space<semaphore_mem>>) src(%dma_wait3A_38 : memref<10000x128xf32, #tpu.memory_space<hbm>>) dst(%arg10 : memref<80x128xf32, #tpu.memory_space<vmem>>)
    %scan3A = arith.constant 0 : i32
    %scan3A_39 = arith.constant 0 : i32
    %scan3A_40 = arith.constant 62 : i32
    %scan3A_41 = arith.addi %scan3A_39, %scan3A_40 : i32
    %scan3A_42 = arith.constant 1 : i32
    scf.for %scan3A_49 = %scan3A_39 to %scan3A_41 step %scan3A_42  : i32 {
      %mul3A_50 = arith.constant 2 : i32
      %mul3A_51 = arith.muli %mul3A_50, %scan3A_49 : i32
      %add3A_52 = arith.constant 0 : i32
      %add3A_53 = arith.addi %mul3A_51, %add3A_52 : i32
      %add3A_54 = arith.constant 1 : i32
      %add3A_55 = arith.addi %add3A_53, %add3A_54 : i32
      %mul3A_56 = arith.constant 80 : i32
      %mul3A_57 = arith.muli %add3A_55, %mul3A_56 : i32
      %add3A_58 = arith.addi %mul3A_2, %mul3A_57 : i32
      %dma_start3A_59 = tpu.memref_slice %arg4[%add3A_58] : memref<320000xi32, #tpu.memory_space<hbm>> -> memref<80xi32, #tpu.memory_space<hbm>>
      %dma_start3A_60 = tpu.memref_slice %arg4[%add3A_58] : memref<320000xi32, #tpu.memory_space<hbm>> -> memref<80xi32, #tpu.memory_space<hbm>>
      tpu.enqueue_dma source(%dma_start3A_60 : memref<80xi32, #tpu.memory_space<hbm>>) target(%arg9 : memref<80xi32, #tpu.memory_space<vmem>>) target_semaphore(%arg14 : memref<!tpu.dma_semaphore, #tpu.memory_space<semaphore_mem>>)
      %dma_start3A_61 = arith.constant 0 : i32
      %dma_start3A_62 = tpu.memref_slice %arg7[%add3A_55, %dma_start3A_61] : memref<125x80xi32, #tpu.memory_space<vmem>> -> memref<1x80xi32, #tpu.memory_space<vmem>>
      %dma_start3A_63 = tpu.memref_squeeze %dma_start3A_62 : memref<1x80xi32, #tpu.memory_space<vmem>> -> memref<80xi32, #tpu.memory_space<vmem>>
      %dma_start3A_64 = arith.constant 0 : i32
      %dma_start3A_65 = arith.constant 0 : i32
      %dma_start3A_66 = tpu.memref_slice %arg2[%dma_start3A_64, %dma_start3A_65] : memref<10000x128xf32, #tpu.memory_space<hbm>> -> memref<10000x128xf32, #tpu.memory_space<hbm>>
      tpu.enqueue_indirect_dma source(%dma_start3A_66 : memref<10000x128xf32, #tpu.memory_space<hbm>>) target(%arg11 : memref<80x128xf32, #tpu.memory_space<vmem>>) offsets(%dma_start3A_63 : memref<80xi32, #tpu.memory_space<vmem>>) semaphore(%arg16 : memref<!tpu.dma_semaphore, #tpu.memory_space<semaphore_mem>>)
      "tpu.region"() ({
        %run_scoped3A = tpu.sem_alloc : memref<!tpu.dma_semaphore, #tpu.memory_space<semaphore_mem>>
        %dma_start3A_100 = arith.constant 0 : i32
        %dma_start3A_101 = arith.constant 0 : i32
        %dma_start3A_102 = tpu.memref_slice %arg17[%dma_start3A_100, %dma_start3A_101] : memref<10240x128xf32, #tpu.memory_space<vmem_shared>> -> memref<10240x128xf32, #tpu.memory_space<vmem_shared>>
        tpu.enqueue_indirect_dma source(%arg10 : memref<80x128xf32, #tpu.memory_space<vmem>>) target(%dma_start3A_102 : memref<10240x128xf32, #tpu.memory_space<vmem_shared>>) offsets(%arg8 : memref<80xi32, #tpu.memory_space<vmem>>) semaphore(%run_scoped3A : memref<!tpu.dma_semaphore, #tpu.memory_space<semaphore_mem>>) {add = true}
        %dma_wait3A_103 = arith.constant 0 : i32
        %dma_wait3A_104 = arith.constant 0 : i32
        %dma_wait3A_105 = tpu.memref_slice %arg17[%dma_wait3A_103, %dma_wait3A_104] : memref<10240x128xf32, #tpu.memory_space<vmem_shared>> -> memref<10240x128xf32, #tpu.memory_space<vmem_shared>>
        tpu.wait_indirect_dma semaphore(%run_scoped3A : memref<!tpu.dma_semaphore, #tpu.memory_space<semaphore_mem>>) src(%arg10 : memref<80x128xf32, #tpu.memory_space<vmem>>) dst(%dma_wait3A_105 : memref<10240x128xf32, #tpu.memory_space<vmem_shared>>)
        tpu.yield
      }) : () -> ()
      %dma_wait3A_67 = tpu.memref_slice %arg4[%add3A_58] : memref<320000xi32, #tpu.memory_space<hbm>> -> memref<80xi32, #tpu.memory_space<hbm>>
      %dma_wait3A_68 = tpu.memref_slice %arg4[%add3A_58] : memref<320000xi32, #tpu.memory_space<hbm>> -> memref<80xi32, #tpu.memory_space<hbm>>
      tpu.wait_dma2 semaphore(%arg14 : memref<!tpu.dma_semaphore, #tpu.memory_space<semaphore_mem>>) src(%dma_wait3A_68 : memref<80xi32, #tpu.memory_space<hbm>>) dst(%arg9 : memref<80xi32, #tpu.memory_space<vmem>>)
      %dma_wait3A_69 = arith.constant 0 : i32
      %dma_wait3A_70 = tpu.memref_slice %arg7[%add3A_55, %dma_wait3A_69] : memref<125x80xi32, #tpu.memory_space<vmem>> -> memref<1x80xi32, #tpu.memory_space<vmem>>
      %dma_wait3A_71 = tpu.memref_squeeze %dma_wait3A_70 : memref<1x80xi32, #tpu.memory_space<vmem>> -> memref<80xi32, #tpu.memory_space<vmem>>
      %dma_wait3A_72 = arith.constant 0 : i32
      %dma_wait3A_73 = arith.constant 0 : i32
      %dma_wait3A_74 = tpu.memref_slice %arg2[%dma_wait3A_72, %dma_wait3A_73] : memref<10000x128xf32, #tpu.memory_space<hbm>> -> memref<10000x128xf32, #tpu.memory_space<hbm>>
      tpu.wait_indirect_dma semaphore(%arg16 : memref<!tpu.dma_semaphore, #tpu.memory_space<semaphore_mem>>) src(%dma_wait3A_74 : memref<10000x128xf32, #tpu.memory_space<hbm>>) dst(%arg11 : memref<80x128xf32, #tpu.memory_space<vmem>>)
      %mul3A_75 = arith.constant 2 : i32
      %mul3A_76 = arith.muli %mul3A_75, %scan3A_49 : i32
      %add3A_77 = arith.constant 1 : i32
      %add3A_78 = arith.addi %mul3A_76, %add3A_77 : i32
      %add3A_79 = arith.constant 1 : i32
      %add3A_80 = arith.addi %add3A_78, %add3A_79 : i32
      %mul3A_81 = arith.constant 80 : i32
      %mul3A_82 = arith.muli %add3A_80, %mul3A_81 : i32
      %add3A_83 = arith.addi %mul3A_2, %mul3A_82 : i32
      %dma_start3A_84 = tpu.memref_slice %arg4[%add3A_83] : memref<320000xi32, #tpu.memory_space<hbm>> -> memref<80xi32, #tpu.memory_space<hbm>>
      %dma_start3A_85 = tpu.memref_slice %arg4[%add3A_83] : memref<320000xi32, #tpu.memory_space<hbm>> -> memref<80xi32, #tpu.memory_space<hbm>>
      tpu.enqueue_dma source(%dma_start3A_85 : memref<80xi32, #tpu.memory_space<hbm>>) target(%arg8 : memref<80xi32, #tpu.memory_space<vmem>>) target_semaphore(%arg13 : memref<!tpu.dma_semaphore, #tpu.memory_space<semaphore_mem>>)
      %dma_start3A_86 = arith.constant 0 : i32
      %dma_start3A_87 = tpu.memref_slice %arg7[%add3A_80, %dma_start3A_86] : memref<125x80xi32, #tpu.memory_space<vmem>> -> memref<1x80xi32, #tpu.memory_space<vmem>>
      %dma_start3A_88 = tpu.memref_squeeze %dma_start3A_87 : memref<1x80xi32, #tpu.memory_space<vmem>> -> memref<80xi32, #tpu.memory_space<vmem>>
      %dma_start3A_89 = arith.constant 0 : i32
      %dma_start3A_90 = arith.constant 0 : i32
      %dma_start3A_91 = tpu.memref_slice %arg2[%dma_start3A_89, %dma_start3A_90] : memref<10000x128xf32, #tpu.memory_space<hbm>> -> memref<10000x128xf32, #tpu.memory_space<hbm>>
      tpu.enqueue_indirect_dma source(%dma_start3A_91 : memref<10000x128xf32, #tpu.memory_space<hbm>>) target(%arg10 : memref<80x128xf32, #tpu.memory_space<vmem>>) offsets(%dma_start3A_88 : memref<80xi32, #tpu.memory_space<vmem>>) semaphore(%arg15 : memref<!tpu.dma_semaphore, #tpu.memory_space<semaphore_mem>>)
      "tpu.region"() ({
        %run_scoped3A = tpu.sem_alloc : memref<!tpu.dma_semaphore, #tpu.memory_space<semaphore_mem>>
        %dma_start3A_100 = arith.constant 0 : i32
        %dma_start3A_101 = arith.constant 0 : i32
        %dma_start3A_102 = tpu.memref_slice %arg17[%dma_start3A_100, %dma_start3A_101] : memref<10240x128xf32, #tpu.memory_space<vmem_shared>> -> memref<10240x128xf32, #tpu.memory_space<vmem_shared>>
        tpu.enqueue_indirect_dma source(%arg11 : memref<80x128xf32, #tpu.memory_space<vmem>>) target(%dma_start3A_102 : memref<10240x128xf32, #tpu.memory_space<vmem_shared>>) offsets(%arg9 : memref<80xi32, #tpu.memory_space<vmem>>) semaphore(%run_scoped3A : memref<!tpu.dma_semaphore, #tpu.memory_space<semaphore_mem>>) {add = true}
        %dma_wait3A_103 = arith.constant 0 : i32
        %dma_wait3A_104 = arith.constant 0 : i32
        %dma_wait3A_105 = tpu.memref_slice %arg17[%dma_wait3A_103, %dma_wait3A_104] : memref<10240x128xf32, #tpu.memory_space<vmem_shared>> -> memref<10240x128xf32, #tpu.memory_space<vmem_shared>>
        tpu.wait_indirect_dma semaphore(%run_scoped3A : memref<!tpu.dma_semaphore, #tpu.memory_space<semaphore_mem>>) src(%arg11 : memref<80x128xf32, #tpu.memory_space<vmem>>) dst(%dma_wait3A_105 : memref<10240x128xf32, #tpu.memory_space<vmem_shared>>)
        tpu.yield
      }) : () -> ()
      %dma_wait3A_92 = tpu.memref_slice %arg4[%add3A_83] : memref<320000xi32, #tpu.memory_space<hbm>> -> memref<80xi32, #tpu.memory_space<hbm>>
      %dma_wait3A_93 = tpu.memref_slice %arg4[%add3A_83] : memref<320000xi32, #tpu.memory_space<hbm>> -> memref<80xi32, #tpu.memory_space<hbm>>
      tpu.wait_dma2 semaphore(%arg13 : memref<!tpu.dma_semaphore, #tpu.memory_space<semaphore_mem>>) src(%dma_wait3A_93 : memref<80xi32, #tpu.memory_space<hbm>>) dst(%arg8 : memref<80xi32, #tpu.memory_space<vmem>>)
      %dma_wait3A_94 = arith.constant 0 : i32
      %dma_wait3A_95 = tpu.memref_slice %arg7[%add3A_80, %dma_wait3A_94] : memref<125x80xi32, #tpu.memory_space<vmem>> -> memref<1x80xi32, #tpu.memory_space<vmem>>
      %dma_wait3A_96 = tpu.memref_squeeze %dma_wait3A_95 : memref<1x80xi32, #tpu.memory_space<vmem>> -> memref<80xi32, #tpu.memory_space<vmem>>
      %dma_wait3A_97 = arith.constant 0 : i32
      %dma_wait3A_98 = arith.constant 0 : i32
      %dma_wait3A_99 = tpu.memref_slice %arg2[%dma_wait3A_97, %dma_wait3A_98] : memref<10000x128xf32, #tpu.memory_space<hbm>> -> memref<10000x128xf32, #tpu.memory_space<hbm>>
      tpu.wait_indirect_dma semaphore(%arg15 : memref<!tpu.dma_semaphore, #tpu.memory_space<semaphore_mem>>) src(%dma_wait3A_99 : memref<10000x128xf32, #tpu.memory_space<hbm>>) dst(%arg10 : memref<80x128xf32, #tpu.memory_space<vmem>>)
    }
    %scan3A_43 = arith.constant 62 : i32
    "tpu.region"() ({
      %run_scoped3A = tpu.sem_alloc : memref<!tpu.dma_semaphore, #tpu.memory_space<semaphore_mem>>
      %dma_start3A_49 = arith.constant 0 : i32
      %dma_start3A_50 = arith.constant 0 : i32
      %dma_start3A_51 = tpu.memref_slice %arg17[%dma_start3A_49, %dma_start3A_50] : memref<10240x128xf32, #tpu.memory_space<vmem_shared>> -> memref<10240x128xf32, #tpu.memory_space<vmem_shared>>
      tpu.enqueue_indirect_dma source(%arg10 : memref<80x128xf32, #tpu.memory_space<vmem>>) target(%dma_start3A_51 : memref<10240x128xf32, #tpu.memory_space<vmem_shared>>) offsets(%arg8 : memref<80xi32, #tpu.memory_space<vmem>>) semaphore(%run_scoped3A : memref<!tpu.dma_semaphore, #tpu.memory_space<semaphore_mem>>) {add = true}
      %dma_wait3A_52 = arith.constant 0 : i32
      %dma_wait3A_53 = arith.constant 0 : i32
      %dma_wait3A_54 = tpu.memref_slice %arg17[%dma_wait3A_52, %dma_wait3A_53] : memref<10240x128xf32, #tpu.memory_space<vmem_shared>> -> memref<10240x128xf32, #tpu.memory_space<vmem_shared>>
      tpu.wait_indirect_dma semaphore(%run_scoped3A : memref<!tpu.dma_semaphore, #tpu.memory_space<semaphore_mem>>) src(%arg10 : memref<80x128xf32, #tpu.memory_space<vmem>>) dst(%dma_wait3A_54 : memref<10240x128xf32, #tpu.memory_space<vmem_shared>>)
      tpu.yield
    }) : () -> ()
    %barrier3A_44 = arith.constant 0 : index
    tpu.barrier barrier_id(%barrier3A_44)
    %mul3A_45 = arith.constant 640 : i32
    %mul3A_46 = arith.muli %arg1, %mul3A_45 : i32
    %mul3A_47 = arith.constant 640 : i32
    %mul3A_48 = arith.muli %arg1, %mul3A_47 : i32
    "tpu.region"() ({
      %run_scoped3A = tpu.sem_alloc : memref<!tpu.dma_semaphore, #tpu.memory_space<semaphore_mem>>
      %dma_start3A_49 = arith.constant 0 : i32
      %dma_start3A_50 = tpu.memref_slice %arg6[%arg0, %mul3A_48, %dma_start3A_49] : memref<2x10240x128xf32, #tpu.memory_space<hbm>> -> memref<1x640x128xf32, #tpu.memory_space<hbm>>
      %dma_start3A_51 = tpu.memref_squeeze %dma_start3A_50 : memref<1x640x128xf32, #tpu.memory_space<hbm>> -> memref<640x128xf32, #tpu.memory_space<hbm>>
      %dma_start3A_52 = arith.constant 0 : i32
      %dma_start3A_53 = tpu.memref_slice %arg17[%mul3A_46, %dma_start3A_52] : memref<10240x128xf32, #tpu.memory_space<vmem_shared>> -> memref<640x128xf32, #tpu.memory_space<vmem_shared>>
      tpu.enqueue_dma source(%dma_start3A_53 : memref<640x128xf32, #tpu.memory_space<vmem_shared>>) target(%dma_start3A_51 : memref<640x128xf32, #tpu.memory_space<hbm>>) target_semaphore(%run_scoped3A : memref<!tpu.dma_semaphore, #tpu.memory_space<semaphore_mem>>)
      %dma_wait3A_54 = arith.constant 0 : i32
      %dma_wait3A_55 = tpu.memref_slice %arg6[%arg0, %mul3A_48, %dma_wait3A_54] : memref<2x10240x128xf32, #tpu.memory_space<hbm>> -> memref<1x640x128xf32, #tpu.memory_space<hbm>>
      %dma_wait3A_56 = tpu.memref_squeeze %dma_wait3A_55 : memref<1x640x128xf32, #tpu.memory_space<hbm>> -> memref<640x128xf32, #tpu.memory_space<hbm>>
      %dma_wait3A_57 = arith.constant 0 : i32
      %dma_wait3A_58 = tpu.memref_slice %arg17[%mul3A_46, %dma_wait3A_57] : memref<10240x128xf32, #tpu.memory_space<vmem_shared>> -> memref<640x128xf32, #tpu.memory_space<vmem_shared>>
      tpu.wait_dma2 semaphore(%run_scoped3A : memref<!tpu.dma_semaphore, #tpu.memory_space<semaphore_mem>>) src(%dma_wait3A_58 : memref<640x128xf32, #tpu.memory_space<vmem_shared>>) dst(%dma_wait3A_56 : memref<640x128xf32, #tpu.memory_space<hbm>>)
      tpu.yield
    }) : () -> ()
    return
  }
}

#map = affine_map<(d0, d1) -> (0, 0)>
#map1 = affine_map<(d0, d1) -> (0, 0, 0)>
#map2 = affine_map<(d0, d1) -> (0)>
module attributes {stable_mosaic.version = 14 : i64} {
  func.func @_seg_body(%arg0: i32, %arg1: i32, %arg2: memref<10000x128xf32, #tpu.memory_space<hbm>>, %arg3: memref<32x125x80xi32, #tpu.memory_space<hbm>>, %arg4: memref<320000xi32, #tpu.memory_space<hbm>>, %arg5: memref<640x128xf32, #tpu.memory_space<hbm>>, %arg6: memref<2x10240x128xf32, #tpu.memory_space<hbm>>, %arg7: memref<125x80xi32, #tpu.memory_space<vmem>>, %arg8: memref<80xi32, #tpu.memory_space<vmem>>, %arg9: memref<80xi32, #tpu.memory_space<vmem>>, %arg10: memref<80x128xf32, #tpu.memory_space<vmem>>, %arg11: memref<80x128xf32, #tpu.memory_space<vmem>>, %arg12: memref<!tpu.dma_semaphore, #tpu.memory_space<semaphore_mem>>, %arg13: memref<!tpu.dma_semaphore, #tpu.memory_space<semaphore_mem>>, %arg14: memref<!tpu.dma_semaphore, #tpu.memory_space<semaphore_mem>>, %arg15: memref<!tpu.dma_semaphore, #tpu.memory_space<semaphore_mem>>, %arg16: memref<!tpu.dma_semaphore, #tpu.memory_space<semaphore_mem>>, %arg17: memref<10240x128xf32, #tpu.memory_space<vmem_shared>>) attributes {dimension_semantics = [#tpu.dimension_semantics<core_parallel>, #tpu.dimension_semantics<subcore_parallel>], iteration_bounds = array<i64: 2, 16>, scalar_prefetch = 0 : i64, scratch_operands = 11 : i64, tpu.core_type = #tpu.core_type<sc_vector_subcore>, window_params = [{transform_indices = #map}, {transform_indices = #map1}, {transform_indices = #map2}, {transform_indices = #map}, {transform_indices = #map1}]} {
    %mul3A = arith.constant 2 : i32
    %mul3A_0 = arith.muli %arg1, %mul3A : i32
    %add3A = arith.addi %mul3A_0, %arg0 : i32
    %mul3A_1 = arith.constant 10000 : i32
    %mul3A_2 = arith.muli %add3A, %mul3A_1 : i32
    %dma_start3A = arith.constant 0 : i32
    %dma_start3A_3 = arith.constant 0 : i32
    %dma_start3A_4 = tpu.memref_slice %arg3[%add3A, %dma_start3A, %dma_start3A_3] : memref<32x125x80xi32, #tpu.memory_space<hbm>> -> memref<1x125x80xi32, #tpu.memory_space<hbm>>
    %dma_start3A_5 = tpu.memref_squeeze %dma_start3A_4 : memref<1x125x80xi32, #tpu.memory_space<hbm>> -> memref<125x80xi32, #tpu.memory_space<hbm>>
    %dma_start3A_6 = arith.constant 0 : i32
    %dma_start3A_7 = arith.constant 0 : i32
    %dma_start3A_8 = tpu.memref_slice %arg3[%add3A, %dma_start3A_6, %dma_start3A_7] : memref<32x125x80xi32, #tpu.memory_space<hbm>> -> memref<1x125x80xi32, #tpu.memory_space<hbm>>
    %dma_start3A_9 = tpu.memref_squeeze %dma_start3A_8 : memref<1x125x80xi32, #tpu.memory_space<hbm>> -> memref<125x80xi32, #tpu.memory_space<hbm>>
    tpu.enqueue_dma source(%dma_start3A_9 : memref<125x80xi32, #tpu.memory_space<hbm>>) target(%arg7 : memref<125x80xi32, #tpu.memory_space<vmem>>) target_semaphore(%arg12 : memref<!tpu.dma_semaphore, #tpu.memory_space<semaphore_mem>>)
    %mul3A_10 = arith.constant 640 : i32
    %mul3A_11 = arith.muli %arg1, %mul3A_10 : i32
    "tpu.region"() ({
      %run_scoped3A = tpu.sem_alloc : memref<!tpu.dma_semaphore, #tpu.memory_space<semaphore_mem>>
      %dma_start3A_49 = arith.constant 0 : i32
      %dma_start3A_50 = tpu.memref_slice %arg17[%mul3A_11, %dma_start3A_49] : memref<10240x128xf32, #tpu.memory_space<vmem_shared>> -> memref<640x128xf32, #tpu.memory_space<vmem_shared>>
      tpu.enqueue_dma source(%arg5 : memref<640x128xf32, #tpu.memory_space<hbm>>) target(%dma_start3A_50 : memref<640x128xf32, #tpu.memory_space<vmem_shared>>) target_semaphore(%run_scoped3A : memref<!tpu.dma_semaphore, #tpu.memory_space<semaphore_mem>>)
      %dma_wait3A_51 = arith.constant 0 : i32
      %dma_wait3A_52 = tpu.memref_slice %arg17[%mul3A_11, %dma_wait3A_51] : memref<10240x128xf32, #tpu.memory_space<vmem_shared>> -> memref<640x128xf32, #tpu.memory_space<vmem_shared>>
      tpu.wait_dma2 semaphore(%run_scoped3A : memref<!tpu.dma_semaphore, #tpu.memory_space<semaphore_mem>>) src(%arg5 : memref<640x128xf32, #tpu.memory_space<hbm>>) dst(%dma_wait3A_52 : memref<640x128xf32, #tpu.memory_space<vmem_shared>>)
      tpu.yield
    }) : () -> ()
    %dma_wait3A = arith.constant 0 : i32
    %dma_wait3A_12 = arith.constant 0 : i32
    %dma_wait3A_13 = tpu.memref_slice %arg3[%add3A, %dma_wait3A, %dma_wait3A_12] : memref<32x125x80xi32, #tpu.memory_space<hbm>> -> memref<1x125x80xi32, #tpu.memory_space<hbm>>
    %dma_wait3A_14 = tpu.memref_squeeze %dma_wait3A_13 : memref<1x125x80xi32, #tpu.memory_space<hbm>> -> memref<125x80xi32, #tpu.memory_space<hbm>>
    %dma_wait3A_15 = arith.constant 0 : i32
    %dma_wait3A_16 = arith.constant 0 : i32
    %dma_wait3A_17 = tpu.memref_slice %arg3[%add3A, %dma_wait3A_15, %dma_wait3A_16] : memref<32x125x80xi32, #tpu.memory_space<hbm>> -> memref<1x125x80xi32, #tpu.memory_space<hbm>>
    %dma_wait3A_18 = tpu.memref_squeeze %dma_wait3A_17 : memref<1x125x80xi32, #tpu.memory_space<hbm>> -> memref<125x80xi32, #tpu.memory_space<hbm>>
    tpu.wait_dma2 semaphore(%arg12 : memref<!tpu.dma_semaphore, #tpu.memory_space<semaphore_mem>>) src(%dma_wait3A_18 : memref<125x80xi32, #tpu.memory_space<hbm>>) dst(%arg7 : memref<125x80xi32, #tpu.memory_space<vmem>>)
    %barrier3A = arith.constant 0 : index
    tpu.barrier barrier_id(%barrier3A)
    %add3A_19 = arith.constant 0 : i32
    %add3A_20 = arith.addi %mul3A_2, %add3A_19 : i32
    %dma_start3A_21 = tpu.memref_slice %arg4[%add3A_20] : memref<320000xi32, #tpu.memory_space<hbm>> -> memref<80xi32, #tpu.memory_space<hbm>>
    %dma_start3A_22 = tpu.memref_slice %arg4[%add3A_20] : memref<320000xi32, #tpu.memory_space<hbm>> -> memref<80xi32, #tpu.memory_space<hbm>>
    tpu.enqueue_dma source(%dma_start3A_22 : memref<80xi32, #tpu.memory_space<hbm>>) target(%arg8 : memref<80xi32, #tpu.memory_space<vmem>>) target_semaphore(%arg13 : memref<!tpu.dma_semaphore, #tpu.memory_space<semaphore_mem>>)
    %dma_start3A_23 = arith.constant 0 : i32
    %dma_start3A_24 = arith.constant 0 : i32
    %dma_start3A_25 = tpu.memref_slice %arg7[%dma_start3A_23, %dma_start3A_24] : memref<125x80xi32, #tpu.memory_space<vmem>> -> memref<1x80xi32, #tpu.memory_space<vmem>>
    %dma_start3A_26 = tpu.memref_squeeze %dma_start3A_25 : memref<1x80xi32, #tpu.memory_space<vmem>> -> memref<80xi32, #tpu.memory_space<vmem>>
    %dma_start3A_27 = arith.constant 0 : i32
    %dma_start3A_28 = arith.constant 0 : i32
    %dma_start3A_29 = tpu.memref_slice %arg2[%dma_start3A_27, %dma_start3A_28] : memref<10000x128xf32, #tpu.memory_space<hbm>> -> memref<10000x128xf32, #tpu.memory_space<hbm>>
    tpu.enqueue_indirect_dma source(%dma_start3A_29 : memref<10000x128xf32, #tpu.memory_space<hbm>>) target(%arg10 : memref<80x128xf32, #tpu.memory_space<vmem>>) offsets(%dma_start3A_26 : memref<80xi32, #tpu.memory_space<vmem>>) semaphore(%arg15 : memref<!tpu.dma_semaphore, #tpu.memory_space<semaphore_mem>>)
    %dma_wait3A_30 = tpu.memref_slice %arg4[%add3A_20] : memref<320000xi32, #tpu.memory_space<hbm>> -> memref<80xi32, #tpu.memory_space<hbm>>
    %dma_wait3A_31 = tpu.memref_slice %arg4[%add3A_20] : memref<320000xi32, #tpu.memory_space<hbm>> -> memref<80xi32, #tpu.memory_space<hbm>>
    tpu.wait_dma2 semaphore(%arg13 : memref<!tpu.dma_semaphore, #tpu.memory_space<semaphore_mem>>) src(%dma_wait3A_31 : memref<80xi32, #tpu.memory_space<hbm>>) dst(%arg8 : memref<80xi32, #tpu.memory_space<vmem>>)
    %dma_wait3A_32 = arith.constant 0 : i32
    %dma_wait3A_33 = arith.constant 0 : i32
    %dma_wait3A_34 = tpu.memref_slice %arg7[%dma_wait3A_32, %dma_wait3A_33] : memref<125x80xi32, #tpu.memory_space<vmem>> -> memref<1x80xi32, #tpu.memory_space<vmem>>
    %dma_wait3A_35 = tpu.memref_squeeze %dma_wait3A_34 : memref<1x80xi32, #tpu.memory_space<vmem>> -> memref<80xi32, #tpu.memory_space<vmem>>
    %dma_wait3A_36 = arith.constant 0 : i32
    %dma_wait3A_37 = arith.constant 0 : i32
    %dma_wait3A_38 = tpu.memref_slice %arg2[%dma_wait3A_36, %dma_wait3A_37] : memref<10000x128xf32, #tpu.memory_space<hbm>> -> memref<10000x128xf32, #tpu.memory_space<hbm>>
    tpu.wait_indirect_dma semaphore(%arg15 : memref<!tpu.dma_semaphore, #tpu.memory_space<semaphore_mem>>) src(%dma_wait3A_38 : memref<10000x128xf32, #tpu.memory_space<hbm>>) dst(%arg10 : memref<80x128xf32, #tpu.memory_space<vmem>>)
    %scan3A = arith.constant 0 : i32
    %scan3A_39 = arith.constant 0 : i32
    %scan3A_40 = arith.constant 62 : i32
    %scan3A_41 = arith.addi %scan3A_39, %scan3A_40 : i32
    %scan3A_42 = arith.constant 1 : i32
    scf.for %scan3A_49 = %scan3A_39 to %scan3A_41 step %scan3A_42  : i32 {
      %mul3A_50 = arith.constant 2 : i32
      %mul3A_51 = arith.muli %mul3A_50, %scan3A_49 : i32
      %add3A_52 = arith.constant 0 : i32
      %add3A_53 = arith.addi %mul3A_51, %add3A_52 : i32
      %add3A_54 = arith.constant 1 : i32
      %add3A_55 = arith.addi %add3A_53, %add3A_54 : i32
      %mul3A_56 = arith.constant 80 : i32
      %mul3A_57 = arith.muli %add3A_55, %mul3A_56 : i32
      %add3A_58 = arith.addi %mul3A_2, %mul3A_57 : i32
      %dma_start3A_59 = tpu.memref_slice %arg4[%add3A_58] : memref<320000xi32, #tpu.memory_space<hbm>> -> memref<80xi32, #tpu.memory_space<hbm>>
      %dma_start3A_60 = tpu.memref_slice %arg4[%add3A_58] : memref<320000xi32, #tpu.memory_space<hbm>> -> memref<80xi32, #tpu.memory_space<hbm>>
      tpu.enqueue_dma source(%dma_start3A_60 : memref<80xi32, #tpu.memory_space<hbm>>) target(%arg9 : memref<80xi32, #tpu.memory_space<vmem>>) target_semaphore(%arg14 : memref<!tpu.dma_semaphore, #tpu.memory_space<semaphore_mem>>)
      %dma_start3A_61 = arith.constant 0 : i32
      %dma_start3A_62 = tpu.memref_slice %arg7[%add3A_55, %dma_start3A_61] : memref<125x80xi32, #tpu.memory_space<vmem>> -> memref<1x80xi32, #tpu.memory_space<vmem>>
      %dma_start3A_63 = tpu.memref_squeeze %dma_start3A_62 : memref<1x80xi32, #tpu.memory_space<vmem>> -> memref<80xi32, #tpu.memory_space<vmem>>
      %dma_start3A_64 = arith.constant 0 : i32
      %dma_start3A_65 = arith.constant 0 : i32
      %dma_start3A_66 = tpu.memref_slice %arg2[%dma_start3A_64, %dma_start3A_65] : memref<10000x128xf32, #tpu.memory_space<hbm>> -> memref<10000x128xf32, #tpu.memory_space<hbm>>
      tpu.enqueue_indirect_dma source(%dma_start3A_66 : memref<10000x128xf32, #tpu.memory_space<hbm>>) target(%arg11 : memref<80x128xf32, #tpu.memory_space<vmem>>) offsets(%dma_start3A_63 : memref<80xi32, #tpu.memory_space<vmem>>) semaphore(%arg16 : memref<!tpu.dma_semaphore, #tpu.memory_space<semaphore_mem>>)
      "tpu.region"() ({
        %run_scoped3A = tpu.sem_alloc : memref<!tpu.dma_semaphore, #tpu.memory_space<semaphore_mem>>
        %dma_start3A_100 = arith.constant 0 : i32
        %dma_start3A_101 = arith.constant 0 : i32
        %dma_start3A_102 = tpu.memref_slice %arg17[%dma_start3A_100, %dma_start3A_101] : memref<10240x128xf32, #tpu.memory_space<vmem_shared>> -> memref<10240x128xf32, #tpu.memory_space<vmem_shared>>
        tpu.enqueue_indirect_dma source(%arg10 : memref<80x128xf32, #tpu.memory_space<vmem>>) target(%dma_start3A_102 : memref<10240x128xf32, #tpu.memory_space<vmem_shared>>) offsets(%arg8 : memref<80xi32, #tpu.memory_space<vmem>>) semaphore(%run_scoped3A : memref<!tpu.dma_semaphore, #tpu.memory_space<semaphore_mem>>) {add = true}
        %dma_wait3A_103 = arith.constant 0 : i32
        %dma_wait3A_104 = arith.constant 0 : i32
        %dma_wait3A_105 = tpu.memref_slice %arg17[%dma_wait3A_103, %dma_wait3A_104] : memref<10240x128xf32, #tpu.memory_space<vmem_shared>> -> memref<10240x128xf32, #tpu.memory_space<vmem_shared>>
        tpu.wait_indirect_dma semaphore(%run_scoped3A : memref<!tpu.dma_semaphore, #tpu.memory_space<semaphore_mem>>) src(%arg10 : memref<80x128xf32, #tpu.memory_space<vmem>>) dst(%dma_wait3A_105 : memref<10240x128xf32, #tpu.memory_space<vmem_shared>>)
        tpu.yield
      }) : () -> ()
      %dma_wait3A_67 = tpu.memref_slice %arg4[%add3A_58] : memref<320000xi32, #tpu.memory_space<hbm>> -> memref<80xi32, #tpu.memory_space<hbm>>
      %dma_wait3A_68 = tpu.memref_slice %arg4[%add3A_58] : memref<320000xi32, #tpu.memory_space<hbm>> -> memref<80xi32, #tpu.memory_space<hbm>>
      tpu.wait_dma2 semaphore(%arg14 : memref<!tpu.dma_semaphore, #tpu.memory_space<semaphore_mem>>) src(%dma_wait3A_68 : memref<80xi32, #tpu.memory_space<hbm>>) dst(%arg9 : memref<80xi32, #tpu.memory_space<vmem>>)
      %dma_wait3A_69 = arith.constant 0 : i32
      %dma_wait3A_70 = tpu.memref_slice %arg7[%add3A_55, %dma_wait3A_69] : memref<125x80xi32, #tpu.memory_space<vmem>> -> memref<1x80xi32, #tpu.memory_space<vmem>>
      %dma_wait3A_71 = tpu.memref_squeeze %dma_wait3A_70 : memref<1x80xi32, #tpu.memory_space<vmem>> -> memref<80xi32, #tpu.memory_space<vmem>>
      %dma_wait3A_72 = arith.constant 0 : i32
      %dma_wait3A_73 = arith.constant 0 : i32
      %dma_wait3A_74 = tpu.memref_slice %arg2[%dma_wait3A_72, %dma_wait3A_73] : memref<10000x128xf32, #tpu.memory_space<hbm>> -> memref<10000x128xf32, #tpu.memory_space<hbm>>
      tpu.wait_indirect_dma semaphore(%arg16 : memref<!tpu.dma_semaphore, #tpu.memory_space<semaphore_mem>>) src(%dma_wait3A_74 : memref<10000x128xf32, #tpu.memory_space<hbm>>) dst(%arg11 : memref<80x128xf32, #tpu.memory_space<vmem>>)
      %mul3A_75 = arith.constant 2 : i32
      %mul3A_76 = arith.muli %mul3A_75, %scan3A_49 : i32
      %add3A_77 = arith.constant 1 : i32
      %add3A_78 = arith.addi %mul3A_76, %add3A_77 : i32
      %add3A_79 = arith.constant 1 : i32
      %add3A_80 = arith.addi %add3A_78, %add3A_79 : i32
      %mul3A_81 = arith.constant 80 : i32
      %mul3A_82 = arith.muli %add3A_80, %mul3A_81 : i32
      %add3A_83 = arith.addi %mul3A_2, %mul3A_82 : i32
      %dma_start3A_84 = tpu.memref_slice %arg4[%add3A_83] : memref<320000xi32, #tpu.memory_space<hbm>> -> memref<80xi32, #tpu.memory_space<hbm>>
      %dma_start3A_85 = tpu.memref_slice %arg4[%add3A_83] : memref<320000xi32, #tpu.memory_space<hbm>> -> memref<80xi32, #tpu.memory_space<hbm>>
      tpu.enqueue_dma source(%dma_start3A_85 : memref<80xi32, #tpu.memory_space<hbm>>) target(%arg8 : memref<80xi32, #tpu.memory_space<vmem>>) target_semaphore(%arg13 : memref<!tpu.dma_semaphore, #tpu.memory_space<semaphore_mem>>)
      %dma_start3A_86 = arith.constant 0 : i32
      %dma_start3A_87 = tpu.memref_slice %arg7[%add3A_80, %dma_start3A_86] : memref<125x80xi32, #tpu.memory_space<vmem>> -> memref<1x80xi32, #tpu.memory_space<vmem>>
      %dma_start3A_88 = tpu.memref_squeeze %dma_start3A_87 : memref<1x80xi32, #tpu.memory_space<vmem>> -> memref<80xi32, #tpu.memory_space<vmem>>
      %dma_start3A_89 = arith.constant 0 : i32
      %dma_start3A_90 = arith.constant 0 : i32
      %dma_start3A_91 = tpu.memref_slice %arg2[%dma_start3A_89, %dma_start3A_90] : memref<10000x128xf32, #tpu.memory_space<hbm>> -> memref<10000x128xf32, #tpu.memory_space<hbm>>
      tpu.enqueue_indirect_dma source(%dma_start3A_91 : memref<10000x128xf32, #tpu.memory_space<hbm>>) target(%arg10 : memref<80x128xf32, #tpu.memory_space<vmem>>) offsets(%dma_start3A_88 : memref<80xi32, #tpu.memory_space<vmem>>) semaphore(%arg15 : memref<!tpu.dma_semaphore, #tpu.memory_space<semaphore_mem>>)
      "tpu.region"() ({
        %run_scoped3A = tpu.sem_alloc : memref<!tpu.dma_semaphore, #tpu.memory_space<semaphore_mem>>
        %dma_start3A_100 = arith.constant 0 : i32
        %dma_start3A_101 = arith.constant 0 : i32
        %dma_start3A_102 = tpu.memref_slice %arg17[%dma_start3A_100, %dma_start3A_101] : memref<10240x128xf32, #tpu.memory_space<vmem_shared>> -> memref<10240x128xf32, #tpu.memory_space<vmem_shared>>
        tpu.enqueue_indirect_dma source(%arg11 : memref<80x128xf32, #tpu.memory_space<vmem>>) target(%dma_start3A_102 : memref<10240x128xf32, #tpu.memory_space<vmem_shared>>) offsets(%arg9 : memref<80xi32, #tpu.memory_space<vmem>>) semaphore(%run_scoped3A : memref<!tpu.dma_semaphore, #tpu.memory_space<semaphore_mem>>) {add = true}
        %dma_wait3A_103 = arith.constant 0 : i32
        %dma_wait3A_104 = arith.constant 0 : i32
        %dma_wait3A_105 = tpu.memref_slice %arg17[%dma_wait3A_103, %dma_wait3A_104] : memref<10240x128xf32, #tpu.memory_space<vmem_shared>> -> memref<10240x128xf32, #tpu.memory_space<vmem_shared>>
        tpu.wait_indirect_dma semaphore(%run_scoped3A : memref<!tpu.dma_semaphore, #tpu.memory_space<semaphore_mem>>) src(%arg11 : memref<80x128xf32, #tpu.memory_space<vmem>>) dst(%dma_wait3A_105 : memref<10240x128xf32, #tpu.memory_space<vmem_shared>>)
        tpu.yield
      }) : () -> ()
      %dma_wait3A_92 = tpu.memref_slice %arg4[%add3A_83] : memref<320000xi32, #tpu.memory_space<hbm>> -> memref<80xi32, #tpu.memory_space<hbm>>
      %dma_wait3A_93 = tpu.memref_slice %arg4[%add3A_83] : memref<320000xi32, #tpu.memory_space<hbm>> -> memref<80xi32, #tpu.memory_space<hbm>>
      tpu.wait_dma2 semaphore(%arg13 : memref<!tpu.dma_semaphore, #tpu.memory_space<semaphore_mem>>) src(%dma_wait3A_93 : memref<80xi32, #tpu.memory_space<hbm>>) dst(%arg8 : memref<80xi32, #tpu.memory_space<vmem>>)
      %dma_wait3A_94 = arith.constant 0 : i32
      %dma_wait3A_95 = tpu.memref_slice %arg7[%add3A_80, %dma_wait3A_94] : memref<125x80xi32, #tpu.memory_space<vmem>> -> memref<1x80xi32, #tpu.memory_space<vmem>>
      %dma_wait3A_96 = tpu.memref_squeeze %dma_wait3A_95 : memref<1x80xi32, #tpu.memory_space<vmem>> -> memref<80xi32, #tpu.memory_space<vmem>>
      %dma_wait3A_97 = arith.constant 0 : i32
      %dma_wait3A_98 = arith.constant 0 : i32
      %dma_wait3A_99 = tpu.memref_slice %arg2[%dma_wait3A_97, %dma_wait3A_98] : memref<10000x128xf32, #tpu.memory_space<hbm>> -> memref<10000x128xf32, #tpu.memory_space<hbm>>
      tpu.wait_indirect_dma semaphore(%arg15 : memref<!tpu.dma_semaphore, #tpu.memory_space<semaphore_mem>>) src(%dma_wait3A_99 : memref<10000x128xf32, #tpu.memory_space<hbm>>) dst(%arg10 : memref<80x128xf32, #tpu.memory_space<vmem>>)
    }
    %scan3A_43 = arith.constant 62 : i32
    "tpu.region"() ({
      %run_scoped3A = tpu.sem_alloc : memref<!tpu.dma_semaphore, #tpu.memory_space<semaphore_mem>>
      %dma_start3A_49 = arith.constant 0 : i32
      %dma_start3A_50 = arith.constant 0 : i32
      %dma_start3A_51 = tpu.memref_slice %arg17[%dma_start3A_49, %dma_start3A_50] : memref<10240x128xf32, #tpu.memory_space<vmem_shared>> -> memref<10240x128xf32, #tpu.memory_space<vmem_shared>>
      tpu.enqueue_indirect_dma source(%arg10 : memref<80x128xf32, #tpu.memory_space<vmem>>) target(%dma_start3A_51 : memref<10240x128xf32, #tpu.memory_space<vmem_shared>>) offsets(%arg8 : memref<80xi32, #tpu.memory_space<vmem>>) semaphore(%run_scoped3A : memref<!tpu.dma_semaphore, #tpu.memory_space<semaphore_mem>>) {add = true}
      %dma_wait3A_52 = arith.constant 0 : i32
      %dma_wait3A_53 = arith.constant 0 : i32
      %dma_wait3A_54 = tpu.memref_slice %arg17[%dma_wait3A_52, %dma_wait3A_53] : memref<10240x128xf32, #tpu.memory_space<vmem_shared>> -> memref<10240x128xf32, #tpu.memory_space<vmem_shared>>
      tpu.wait_indirect_dma semaphore(%run_scoped3A : memref<!tpu.dma_semaphore, #tpu.memory_space<semaphore_mem>>) src(%arg10 : memref<80x128xf32, #tpu.memory_space<vmem>>) dst(%dma_wait3A_54 : memref<10240x128xf32, #tpu.memory_space<vmem_shared>>)
      tpu.yield
    }) : () -> ()
    %barrier3A_44 = arith.constant 0 : index
    tpu.barrier barrier_id(%barrier3A_44)
    %mul3A_45 = arith.constant 640 : i32
    %mul3A_46 = arith.muli %arg1, %mul3A_45 : i32
    %mul3A_47 = arith.constant 640 : i32
    %mul3A_48 = arith.muli %arg1, %mul3A_47 : i32
    "tpu.region"() ({
      %run_scoped3A = tpu.sem_alloc : memref<!tpu.dma_semaphore, #tpu.memory_space<semaphore_mem>>
      %dma_start3A_49 = arith.constant 0 : i32
      %dma_start3A_50 = tpu.memref_slice %arg6[%arg0, %mul3A_48, %dma_start3A_49] : memref<2x10240x128xf32, #tpu.memory_space<hbm>> -> memref<1x640x128xf32, #tpu.memory_space<hbm>>
      %dma_start3A_51 = tpu.memref_squeeze %dma_start3A_50 : memref<1x640x128xf32, #tpu.memory_space<hbm>> -> memref<640x128xf32, #tpu.memory_space<hbm>>
      %dma_start3A_52 = arith.constant 0 : i32
      %dma_start3A_53 = tpu.memref_slice %arg17[%mul3A_46, %dma_start3A_52] : memref<10240x128xf32, #tpu.memory_space<vmem_shared>> -> memref<640x128xf32, #tpu.memory_space<vmem_shared>>
      tpu.enqueue_dma source(%dma_start3A_53 : memref<640x128xf32, #tpu.memory_space<vmem_shared>>) target(%dma_start3A_51 : memref<640x128xf32, #tpu.memory_space<hbm>>) target_semaphore(%run_scoped3A : memref<!tpu.dma_semaphore, #tpu.memory_space<semaphore_mem>>)
      %dma_wait3A_54 = arith.constant 0 : i32
      %dma_wait3A_55 = tpu.memref_slice %arg6[%arg0, %mul3A_48, %dma_wait3A_54] : memref<2x10240x128xf32, #tpu.memory_space<hbm>> -> memref<1x640x128xf32, #tpu.memory_space<hbm>>
      %dma_wait3A_56 = tpu.memref_squeeze %dma_wait3A_55 : memref<1x640x128xf32, #tpu.memory_space<hbm>> -> memref<640x128xf32, #tpu.memory_space<hbm>>
      %dma_wait3A_57 = arith.constant 0 : i32
      %dma_wait3A_58 = tpu.memref_slice %arg17[%mul3A_46, %dma_wait3A_57] : memref<10240x128xf32, #tpu.memory_space<vmem_shared>> -> memref<640x128xf32, #tpu.memory_space<vmem_shared>>
      tpu.wait_dma2 semaphore(%run_scoped3A : memref<!tpu.dma_semaphore, #tpu.memory_space<semaphore_mem>>) src(%dma_wait3A_58 : memref<640x128xf32, #tpu.memory_space<vmem_shared>>) dst(%dma_wait3A_56 : memref<640x128xf32, #tpu.memory_space<hbm>>)
      tpu.yield
    }) : () -> ()
    return
  }
}

module attributes {stable_mosaic.version = 14 : i64} {
  func.func @_tcA_body(%arg0: i32, %arg1: memref<1000x128xf32, #tpu.memory_space<vmem>>, %arg2: memref<128x128xf32, #tpu.memory_space<vmem>>, %arg3: memref<2x1000x128xf32, #tpu.memory_space<vmem>>, %arg4: memref<1000x128xf32, #tpu.memory_space<vmem>>) attributes {dimension_semantics = [#tpu.dimension_semantics<arbitrary>], iteration_bounds = array<i64: 10>, scalar_prefetch = 0 : i64, scratch_operands = 0 : i64, tpu.core_type = #tpu.core_type<tc>, window_params = [{transform_indices = @transform_0, window_bounds = array<i64: 1000, 128>}, {pipeline_mode = #tpu.pipeline_mode<synchronous>, transform_indices = @transform_1, window_bounds = array<i64: 128, 128>}, {transform_indices = @transform_2, window_bounds = array<i64: 2, 1000, 128>}, {transform_indices = @transform_3, window_bounds = array<i64: 1000, 128>}]} {
    %get3A = arith.constant 0 : index
    %get3A_0 = arith.constant 0 : index
    %get3A_1 = vector.load %arg1[%get3A, %get3A_0] : memref<1000x128xf32, #tpu.memory_space<vmem>>, vector<1000x128xf32>
    %get3A_2 = arith.constant 0 : index
    %get3A_3 = arith.constant 0 : index
    %get3A_4 = vector.load %arg2[%get3A_2, %get3A_3] : memref<128x128xf32, #tpu.memory_space<vmem>>, vector<128x128xf32>
    %dot_general3A = arith.constant dense<0.000000e+00> : vector<1000x128xf32>
    %dot_general3A_5 = tpu.matmul %get3A_1, %get3A_4, %dot_general3A {dimension_numbers = #tpu.dot_dimension_numbers<[1], [0], [0], [1], [0, 0, 1, 1], [], []>, transpose_lhs_hint = false} : vector<1000x128xf32>, vector<128x128xf32>, vector<1000x128xf32> -> vector<1000x128xf32>
    %get3A_6 = arith.constant 0 : index
    %get3A_7 = arith.constant 0 : index
    %get3A_8 = arith.constant 0 : index
    %get3A_9 = vector.load %arg3[%get3A_6, %get3A_7, %get3A_8] : memref<2x1000x128xf32, #tpu.memory_space<vmem>>, vector<2x1000x128xf32>
    %slice3A = vector.extract_strided_slice %get3A_9 {offsets = [0, 0, 0], sizes = [1, 1000, 128], strides = [1, 1, 1]} : vector<2x1000x128xf32> to vector<1x1000x128xf32>
    %squeeze3A = vector.shape_cast %slice3A : vector<1x1000x128xf32> to vector<1000x128xf32>
    %slice3A_10 = vector.extract_strided_slice %get3A_9 {offsets = [1, 0, 0], sizes = [1, 1000, 128], strides = [1, 1, 1]} : vector<2x1000x128xf32> to vector<1x1000x128xf32>
    %squeeze3A_11 = vector.shape_cast %slice3A_10 : vector<1x1000x128xf32> to vector<1000x128xf32>
    %add3A = arith.addf %squeeze3A, %squeeze3A_11 : vector<1000x128xf32>
    %add3A_12 = arith.constant 1.000000e+00 : f32
    %add3A_13 = vector.broadcast %add3A_12 : f32 to vector<1000x128xf32>
    %add3A_14 = arith.addf %add3A, %add3A_13 : vector<1000x128xf32>
    %rsqrt3A = math.rsqrt %add3A_14 : vector<1000x128xf32>
    %mul3A = arith.mulf %dot_general3A_5, %rsqrt3A : vector<1000x128xf32>
    %swap3A = arith.constant 0 : index
    %swap3A_15 = arith.constant 0 : index
    %swap3A_16 = vector.load %arg4[%swap3A, %swap3A_15] : memref<1000x128xf32, #tpu.memory_space<vmem>>, vector<1000x128xf32>
    tpu.vector_store %arg4[%swap3A, %swap3A_15], %mul3A {strides = array<i32>} : memref<1000x128xf32, #tpu.memory_space<vmem>>, vector<1000x128xf32>,
    return
  }
  func.func @transform_0(%arg0: i32) -> (i32, i32) {
    %c0_i32 = arith.constant 0 : i32
    %c0_i32_0 = arith.constant 0 : i32
    return %arg0, %c0_i32 : i32, i32
  }
  func.func @transform_1(%arg0: i32) -> (i32, i32) {
    %c0_i32 = arith.constant 0 : i32
    %c0_i32_0 = arith.constant 0 : i32
    %c0_i32_1 = arith.constant 0 : i32
    return %c0_i32, %c0_i32_0 : i32, i32
  }
  func.func @transform_2(%arg0: i32) -> (i32, i32, i32) {
    %c0_i32 = arith.constant 0 : i32
    %c0_i32_0 = arith.constant 0 : i32
    %c0_i32_1 = arith.constant 0 : i32
    return %c0_i32, %arg0, %c0_i32_0 : i32, i32, i32
  }
  func.func @transform_3(%arg0: i32) -> (i32, i32) {
    %c0_i32 = arith.constant 0 : i32
    %c0_i32_0 = arith.constant 0 : i32
    return %arg0, %c0_i32 : i32, i32
  }
}

module attributes {stable_mosaic.version = 14 : i64} {
  func.func @_tcC_body(%arg0: i32, %arg1: memref<2x1000x128xf32, #tpu.memory_space<vmem>>, %arg2: memref<1000x128xf32, #tpu.memory_space<vmem>>, %arg3: memref<2x1000x128xf32, #tpu.memory_space<vmem>>, %arg4: memref<1x128xf32, #tpu.memory_space<vmem>>, %arg5: memref<128x128xf32, #tpu.memory_space<vmem>>, %arg6: memref<1000x128xf32, #tpu.memory_space<vmem>>) attributes {dimension_semantics = [#tpu.dimension_semantics<arbitrary>], iteration_bounds = array<i64: 10>, scalar_prefetch = 0 : i64, scratch_operands = 0 : i64, tpu.core_type = #tpu.core_type<tc>, window_params = [{transform_indices = @transform_0, window_bounds = array<i64: 2, 1000, 128>}, {transform_indices = @transform_1, window_bounds = array<i64: 1000, 128>}, {transform_indices = @transform_2, window_bounds = array<i64: 2, 1000, 128>}, {pipeline_mode = #tpu.pipeline_mode<synchronous>, transform_indices = @transform_3, window_bounds = array<i64: 1, 128>}, {pipeline_mode = #tpu.pipeline_mode<synchronous>, transform_indices = @transform_4, window_bounds = array<i64: 128, 128>}, {transform_indices = @transform_5, window_bounds = array<i64: 1000, 128>}]} {
    %get3A = arith.constant 0 : index
    %get3A_0 = arith.constant 0 : index
    %get3A_1 = arith.constant 0 : index
    %get3A_2 = vector.load %arg3[%get3A, %get3A_0, %get3A_1] : memref<2x1000x128xf32, #tpu.memory_space<vmem>>, vector<2x1000x128xf32>
    %slice3A = vector.extract_strided_slice %get3A_2 {offsets = [0, 0, 0], sizes = [1, 1000, 128], strides = [1, 1, 1]} : vector<2x1000x128xf32> to vector<1x1000x128xf32>
    %squeeze3A = vector.shape_cast %slice3A : vector<1x1000x128xf32> to vector<1000x128xf32>
    %slice3A_3 = vector.extract_strided_slice %get3A_2 {offsets = [1, 0, 0], sizes = [1, 1000, 128], strides = [1, 1, 1]} : vector<2x1000x128xf32> to vector<1x1000x128xf32>
    %squeeze3A_4 = vector.shape_cast %slice3A_3 : vector<1x1000x128xf32> to vector<1000x128xf32>
    %add3A = arith.addf %squeeze3A, %squeeze3A_4 : vector<1000x128xf32>
    %add3A_5 = arith.constant 1.000000e+00 : f32
    %add3A_6 = vector.broadcast %add3A_5 : f32 to vector<1000x128xf32>
    %add3A_7 = arith.addf %add3A, %add3A_6 : vector<1000x128xf32>
    %rsqrt3A = math.rsqrt %add3A_7 : vector<1000x128xf32>
    %get3A_8 = arith.constant 0 : index
    %get3A_9 = arith.constant 0 : index
    %get3A_10 = arith.constant 0 : index
    %get3A_11 = vector.load %arg1[%get3A_8, %get3A_9, %get3A_10] : memref<2x1000x128xf32, #tpu.memory_space<vmem>>, vector<1x1000x128xf32>
    %get3A_12 = vector.shape_cast %get3A_11 : vector<1x1000x128xf32> to vector<1000x128xf32>
    %get3A_13 = arith.constant 1 : index
    %get3A_14 = arith.constant 0 : index
    %get3A_15 = arith.constant 0 : index
    %get3A_16 = vector.load %arg1[%get3A_13, %get3A_14, %get3A_15] : memref<2x1000x128xf32, #tpu.memory_space<vmem>>, vector<1x1000x128xf32>
    %get3A_17 = vector.shape_cast %get3A_16 : vector<1x1000x128xf32> to vector<1000x128xf32>
    %add3A_18 = arith.addf %get3A_12, %get3A_17 : vector<1000x128xf32>
    %get3A_19 = arith.constant 0 : index
    %get3A_20 = arith.constant 0 : index
    %get3A_21 = vector.load %arg2[%get3A_19, %get3A_20] : memref<1000x128xf32, #tpu.memory_space<vmem>>, vector<1000x128xf32>
    %add3A_22 = arith.addf %add3A_18, %get3A_21 : vector<1000x128xf32>
    %mul3A = arith.mulf %rsqrt3A, %add3A_22 : vector<1000x128xf32>
    %get3A_23 = arith.constant 0 : index
    %get3A_24 = arith.constant 0 : index
    %get3A_25 = vector.load %arg4[%get3A_23, %get3A_24] : memref<1x128xf32, #tpu.memory_space<vmem>>, vector<1x128xf32>
    %add3A_26 = vector.broadcast %get3A_25 : vector<1x128xf32> to vector<1000x128xf32>
    %add3A_27 = arith.addf %mul3A, %add3A_26 : vector<1000x128xf32>
    %max3A = arith.constant 0.000000e+00 : f32
    %max3A_28 = vector.broadcast %max3A : f32 to vector<1000x128xf32>
    %max3A_29 = arith.maximumf %add3A_27, %max3A_28 : vector<1000x128xf32>
    %get3A_30 = arith.constant 0 : index
    %get3A_31 = arith.constant 0 : index
    %get3A_32 = vector.load %arg5[%get3A_30, %get3A_31] : memref<128x128xf32, #tpu.memory_space<vmem>>, vector<128x128xf32>
    %dot_general3A = arith.constant dense<0.000000e+00> : vector<1000x128xf32>
    %dot_general3A_33 = tpu.matmul %max3A_29, %get3A_32, %dot_general3A {dimension_numbers = #tpu.dot_dimension_numbers<[1], [0], [0], [1], [0, 0, 1, 1], [], []>, transpose_lhs_hint = false} : vector<1000x128xf32>, vector<128x128xf32>, vector<1000x128xf32> -> vector<1000x128xf32>
    %mul3A_34 = arith.mulf %dot_general3A_33, %rsqrt3A : vector<1000x128xf32>
    %swap3A = arith.constant 0 : index
    %swap3A_35 = arith.constant 0 : index
    %swap3A_36 = vector.load %arg6[%swap3A, %swap3A_35] : memref<1000x128xf32, #tpu.memory_space<vmem>>, vector<1000x128xf32>
    tpu.vector_store %arg6[%swap3A, %swap3A_35], %mul3A_34 {strides = array<i32>} : memref<1000x128xf32, #tpu.memory_space<vmem>>, vector<1000x128xf32>,
    return
  }
  func.func @transform_0(%arg0: i32) -> (i32, i32, i32) {
    %c0_i32 = arith.constant 0 : i32
    %c0_i32_0 = arith.constant 0 : i32
    %c0_i32_1 = arith.constant 0 : i32
    return %c0_i32, %arg0, %c0_i32_0 : i32, i32, i32
  }
  func.func @transform_1(%arg0: i32) -> (i32, i32) {
    %c0_i32 = arith.constant 0 : i32
    %c0_i32_0 = arith.constant 0 : i32
    return %arg0, %c0_i32 : i32, i32
  }
  func.func @transform_2(%arg0: i32) -> (i32, i32, i32) {
    %c0_i32 = arith.constant 0 : i32
    %c0_i32_0 = arith.constant 0 : i32
    %c0_i32_1 = arith.constant 0 : i32
    return %c0_i32, %arg0, %c0_i32_0 : i32, i32, i32
  }
  func.func @transform_3(%arg0: i32) -> (i32, i32) {
    %c0_i32 = arith.constant 0 : i32
    %c0_i32_0 = arith.constant 0 : i32
    %c0_i32_1 = arith.constant 0 : i32
    return %c0_i32, %c0_i32_0 : i32, i32
  }
  func.func @transform_4(%arg0: i32) -> (i32, i32) {
    %c0_i32 = arith.constant 0 : i32
    %c0_i32_0 = arith.constant 0 : i32
    %c0_i32_1 = arith.constant 0 : i32
    return %c0_i32, %c0_i32_0 : i32, i32
  }
  func.func @transform_5(%arg0: i32) -> (i32, i32) {
    %c0_i32 = arith.constant 0 : i32
    %c0_i32_0 = arith.constant 0 : i32
    return %arg0, %c0_i32 : i32, i32
  }
}

module attributes {stable_mosaic.version = 14 : i64} {
  func.func @_tcD_body(%arg0: i32, %arg1: memref<2x1000x128xf32, #tpu.memory_space<vmem>>, %arg2: memref<1000x128xf32, #tpu.memory_space<vmem>>, %arg3: memref<2x1000x128xf32, #tpu.memory_space<vmem>>, %arg4: memref<1x128xf32, #tpu.memory_space<vmem>>, %arg5: memref<1x1x1000xi32, #tpu.memory_space<vmem>>, %arg6: memref<128x128xf32, #tpu.memory_space<vmem>>, %arg7: memref<1x128xf32, #tpu.memory_space<vmem>>, %arg8: memref<128x128xf32, #tpu.memory_space<vmem>>, %arg9: memref<1x128xf32, #tpu.memory_space<vmem>>, %arg10: memref<64x128xf32, #tpu.memory_space<vmem>>, %arg11: memref<64x128xf32, #tpu.memory_space<vmem>>, %arg12: memref<64x128xf32, #tpu.memory_space<vmem>>) attributes {dimension_semantics = [#tpu.dimension_semantics<arbitrary>], iteration_bounds = array<i64: 10>, scalar_prefetch = 0 : i64, scratch_operands = 2 : i64, tpu.core_type = #tpu.core_type<tc>, window_params = [{transform_indices = @transform_0, window_bounds = array<i64: 2, 1000, 128>}, {transform_indices = @transform_1, window_bounds = array<i64: 1000, 128>}, {transform_indices = @transform_2, window_bounds = array<i64: 2, 1000, 128>}, {pipeline_mode = #tpu.pipeline_mode<synchronous>, transform_indices = @transform_3, window_bounds = array<i64: 1, 128>}, {transform_indices = @transform_4, window_bounds = array<i64: 1, 1, 1000>}, {pipeline_mode = #tpu.pipeline_mode<synchronous>, transform_indices = @transform_5, window_bounds = array<i64: 128, 128>}, {pipeline_mode = #tpu.pipeline_mode<synchronous>, transform_indices = @transform_6, window_bounds = array<i64: 1, 128>}, {pipeline_mode = #tpu.pipeline_mode<synchronous>, transform_indices = @transform_7, window_bounds = array<i64: 128, 128>}, {pipeline_mode = #tpu.pipeline_mode<synchronous>, transform_indices = @transform_8, window_bounds = array<i64: 1, 128>}, {pipeline_mode = #tpu.pipeline_mode<synchronous>, transform_indices = @transform_9, window_bounds = array<i64: 64, 128>}]} {
    %eq3A = arith.constant 0 : i32
    %eq3A_0 = arith.cmpi eq, %arg0, %eq3A : i32
    %convert_element_type3A = arith.extui %eq3A_0 : i1 to i32
    %cond3A = arith.constant 0 : i32
    %cond3A_1 = arith.cmpi ne, %convert_element_type3A, %cond3A : i32
    scf.if %cond3A_1 {
      %broadcast_in_dim3A_64 = arith.constant 0.000000e+00 : f32
      %broadcast_in_dim3A_65 = vector.broadcast %broadcast_in_dim3A_64 : f32 to vector<64x128xf32>
      %swap3A_66 = arith.constant 0 : index
      %swap3A_67 = arith.constant 0 : index
      %swap3A_68 = vector.load %arg11[%swap3A_66, %swap3A_67] : memref<64x128xf32, #tpu.memory_space<vmem>>, vector<64x128xf32>
      tpu.vector_store %arg11[%swap3A_66, %swap3A_67], %broadcast_in_dim3A_65 {strides = array<i32>} : memref<64x128xf32, #tpu.memory_space<vmem>>, vector<64x128xf32>,
      %broadcast_in_dim3A_69 = arith.constant 0.000000e+00 : f32
      %broadcast_in_dim3A_70 = vector.broadcast %broadcast_in_dim3A_69 : f32 to vector<64x128xf32>
      %swap3A_71 = arith.constant 0 : index
      %swap3A_72 = arith.constant 0 : index
      %swap3A_73 = vector.load %arg12[%swap3A_71, %swap3A_72] : memref<64x128xf32, #tpu.memory_space<vmem>>, vector<64x128xf32>
      tpu.vector_store %arg12[%swap3A_71, %swap3A_72], %broadcast_in_dim3A_70 {strides = array<i32>} : memref<64x128xf32, #tpu.memory_space<vmem>>, vector<64x128xf32>,
    } else {
    }
    %get3A = arith.constant 0 : index
    %get3A_2 = arith.constant 0 : index
    %get3A_3 = arith.constant 0 : index
    %get3A_4 = vector.load %arg3[%get3A, %get3A_2, %get3A_3] : memref<2x1000x128xf32, #tpu.memory_space<vmem>>, vector<2x1000x128xf32>
    %slice3A = vector.extract_strided_slice %get3A_4 {offsets = [0, 0, 0], sizes = [1, 1000, 128], strides = [1, 1, 1]} : vector<2x1000x128xf32> to vector<1x1000x128xf32>
    %squeeze3A = vector.shape_cast %slice3A : vector<1x1000x128xf32> to vector<1000x128xf32>
    %slice3A_5 = vector.extract_strided_slice %get3A_4 {offsets = [1, 0, 0], sizes = [1, 1000, 128], strides = [1, 1, 1]} : vector<2x1000x128xf32> to vector<1x1000x128xf32>
    %squeeze3A_6 = vector.shape_cast %slice3A_5 : vector<1x1000x128xf32> to vector<1000x128xf32>
    %add3A = arith.addf %squeeze3A, %squeeze3A_6 : vector<1000x128xf32>
    %add3A_7 = arith.constant 1.000000e+00 : f32
    %add3A_8 = vector.broadcast %add3A_7 : f32 to vector<1000x128xf32>
    %add3A_9 = arith.addf %add3A, %add3A_8 : vector<1000x128xf32>
    %rsqrt3A = math.rsqrt %add3A_9 : vector<1000x128xf32>
    %get3A_10 = arith.constant 0 : index
    %get3A_11 = arith.constant 0 : index
    %get3A_12 = arith.constant 0 : index
    %get3A_13 = vector.load %arg1[%get3A_10, %get3A_11, %get3A_12] : memref<2x1000x128xf32, #tpu.memory_space<vmem>>, vector<1x1000x128xf32>
    %get3A_14 = vector.shape_cast %get3A_13 : vector<1x1000x128xf32> to vector<1000x128xf32>
    %get3A_15 = arith.constant 1 : index
    %get3A_16 = arith.constant 0 : index
    %get3A_17 = arith.constant 0 : index
    %get3A_18 = vector.load %arg1[%get3A_15, %get3A_16, %get3A_17] : memref<2x1000x128xf32, #tpu.memory_space<vmem>>, vector<1x1000x128xf32>
    %get3A_19 = vector.shape_cast %get3A_18 : vector<1x1000x128xf32> to vector<1000x128xf32>
    %add3A_20 = arith.addf %get3A_14, %get3A_19 : vector<1000x128xf32>
    %get3A_21 = arith.constant 0 : index
    %get3A_22 = arith.constant 0 : index
    %get3A_23 = vector.load %arg2[%get3A_21, %get3A_22] : memref<1000x128xf32, #tpu.memory_space<vmem>>, vector<1000x128xf32>
    %add3A_24 = arith.addf %add3A_20, %get3A_23 : vector<1000x128xf32>
    %mul3A = arith.mulf %rsqrt3A, %add3A_24 : vector<1000x128xf32>
    %get3A_25 = arith.constant 0 : index
    %get3A_26 = arith.constant 0 : index
    %get3A_27 = vector.load %arg4[%get3A_25, %get3A_26] : memref<1x128xf32, #tpu.memory_space<vmem>>, vector<1x128xf32>
    %add3A_28 = vector.broadcast %get3A_27 : vector<1x128xf32> to vector<1000x128xf32>
    %add3A_29 = arith.addf %mul3A, %add3A_28 : vector<1000x128xf32>
    %max3A = arith.constant 0.000000e+00 : f32
    %max3A_30 = vector.broadcast %max3A : f32 to vector<1000x128xf32>
    %max3A_31 = arith.maximumf %add3A_29, %max3A_30 : vector<1000x128xf32>
    %get3A_32 = arith.constant 0 : index
    %get3A_33 = arith.constant 0 : index
    %get3A_34 = arith.constant 0 : index
    %get3A_35 = vector.load %arg5[%get3A_32, %get3A_33, %get3A_34] : memref<1x1x1000xi32, #tpu.memory_space<vmem>>, vector<1x1x1000xi32>
    %get3A_36 = vector.shape_cast %get3A_35 : vector<1x1x1000xi32> to vector<1000xi32>
    %broadcast_in_dim3A = vector.shape_cast %get3A_36 : vector<1000xi32> to vector<1x1000xi32>
    %iota3A = tpu.iota {dimensions = array<i32: 0>} : vector<64x1000xi32>
    %eq3A_37 = vector.broadcast %broadcast_in_dim3A : vector<1x1000xi32> to vector<64x1000xi32>
    %eq3A_38 = arith.cmpi eq, %eq3A_37, %iota3A : vector<64x1000xi32>
    %convert_element_type3A_39 = arith.extui %eq3A_38 : vector<64x1000xi1> to vector<64x1000xi32>
    %convert_element_type3A_40 = arith.sitofp %convert_element_type3A_39 : vector<64x1000xi32> to vector<64x1000xf32>
    %get3A_41 = arith.constant 0 : index
    %get3A_42 = arith.constant 0 : index
    %get3A_43 = vector.load %arg11[%get3A_41, %get3A_42] : memref<64x128xf32, #tpu.memory_space<vmem>>, vector<64x128xf32>
    %dot_general3A = arith.constant dense<0.000000e+00> : vector<64x128xf32>
    %dot_general3A_44 = tpu.matmul %convert_element_type3A_40, %max3A_31, %dot_general3A {dimension_numbers = #tpu.dot_dimension_numbers<[1], [0], [0], [1], [0, 0, 1, 1], [], []>, transpose_lhs_hint = false} : vector<64x1000xf32>, vector<1000x128xf32>, vector<64x128xf32> -> vector<64x128xf32>
    %add3A_45 = arith.addf %get3A_43, %dot_general3A_44 : vector<64x128xf32>
    %swap3A = arith.constant 0 : index
    %swap3A_46 = arith.constant 0 : index
    %swap3A_47 = vector.load %arg11[%swap3A, %swap3A_46] : memref<64x128xf32, #tpu.memory_space<vmem>>, vector<64x128xf32>
    tpu.vector_store %arg11[%swap3A, %swap3A_46], %add3A_45 {strides = array<i32>} : memref<64x128xf32, #tpu.memory_space<vmem>>, vector<64x128xf32>,
    %get3A_48 = arith.constant 0 : index
    %get3A_49 = arith.constant 0 : index
    %get3A_50 = vector.load %arg12[%get3A_48, %get3A_49] : memref<64x128xf32, #tpu.memory_space<vmem>>, vector<64x128xf32>
    %reduce_sum3A = arith.constant dense<0.000000e+00> : vector<64xf32>
    %reduce_sum3A_51 = vector.multi_reduction <add>, %convert_element_type3A_40, %reduce_sum3A [1] : vector<64x1000xf32> to vector<64xf32>
    %broadcast_in_dim3A_52 = vector.shape_cast %reduce_sum3A_51 : vector<64xf32> to vector<64x1xf32>
    %broadcast_in_dim3A_53 = vector.shape_cast %broadcast_in_dim3A_52 : vector<64x1xf32> to vector<64x1xf32>
    %broadcast_in_dim3A_54 = vector.broadcast %broadcast_in_dim3A_53 : vector<64x1xf32> to vector<64x128xf32>
    %add3A_55 = arith.addf %get3A_50, %broadcast_in_dim3A_54 : vector<64x128xf32>
    %swap3A_56 = arith.constant 0 : index
    %swap3A_57 = arith.constant 0 : index
    %swap3A_58 = vector.load %arg12[%swap3A_56, %swap3A_57] : memref<64x128xf32, #tpu.memory_space<vmem>>, vector<64x128xf32>
    tpu.vector_store %arg12[%swap3A_56, %swap3A_57], %add3A_55 {strides = array<i32>} : memref<64x128xf32, #tpu.memory_space<vmem>>, vector<64x128xf32>,
    %eq3A_59 = arith.constant 9 : i32
    %eq3A_60 = arith.cmpi eq, %arg0, %eq3A_59 : i32
    %convert_element_type3A_61 = arith.extui %eq3A_60 : i1 to i32
    %cond3A_62 = arith.constant 0 : i32
    %cond3A_63 = arith.cmpi ne, %convert_element_type3A_61, %cond3A_62 : i32
    scf.if %cond3A_63 {
      %get3A_64 = arith.constant 0 : index
      %get3A_65 = arith.constant 0 : index
      %get3A_66 = vector.load %arg11[%get3A_64, %get3A_65] : memref<64x128xf32, #tpu.memory_space<vmem>>, vector<64x128xf32>
      %get3A_67 = arith.constant 0 : index
      %get3A_68 = arith.constant 0 : index
      %get3A_69 = vector.load %arg12[%get3A_67, %get3A_68] : memref<64x128xf32, #tpu.memory_space<vmem>>, vector<64x128xf32>
      %max3A_70 = arith.constant 1.000000e+00 : f32
      %max3A_71 = vector.broadcast %max3A_70 : f32 to vector<64x128xf32>
      %max3A_72 = arith.maximumf %get3A_69, %max3A_71 : vector<64x128xf32>
      %div3A = arith.divf %get3A_66, %max3A_72 : vector<64x128xf32>
      %get3A_73 = arith.constant 0 : index
      %get3A_74 = arith.constant 0 : index
      %get3A_75 = vector.load %arg6[%get3A_73, %get3A_74] : memref<128x128xf32, #tpu.memory_space<vmem>>, vector<128x128xf32>
      %dot_general3A_76 = arith.constant dense<0.000000e+00> : vector<64x128xf32>
      %dot_general3A_77 = tpu.matmul %div3A, %get3A_75, %dot_general3A_76 {dimension_numbers = #tpu.dot_dimension_numbers<[1], [0], [0], [1], [0, 0, 1, 1], [], []>, transpose_lhs_hint = false} : vector<64x128xf32>, vector<128x128xf32>, vector<64x128xf32> -> vector<64x128xf32>
      %get3A_78 = arith.constant 0 : index
      %get3A_79 = arith.constant 0 : index
      %get3A_80 = vector.load %arg7[%get3A_78, %get3A_79] : memref<1x128xf32, #tpu.memory_space<vmem>>, vector<1x128xf32>
      %add3A_81 = vector.broadcast %get3A_80 : vector<1x128xf32> to vector<64x128xf32>
      %add3A_82 = arith.addf %dot_general3A_77, %add3A_81 : vector<64x128xf32>
      %max3A_83 = arith.constant 0.000000e+00 : f32
      %max3A_84 = vector.broadcast %max3A_83 : f32 to vector<64x128xf32>
      %max3A_85 = arith.maximumf %add3A_82, %max3A_84 : vector<64x128xf32>
      %get3A_86 = arith.constant 0 : index
      %get3A_87 = arith.constant 0 : index
      %get3A_88 = vector.load %arg8[%get3A_86, %get3A_87] : memref<128x128xf32, #tpu.memory_space<vmem>>, vector<128x128xf32>
      %dot_general3A_89 = arith.constant dense<0.000000e+00> : vector<64x128xf32>
      %dot_general3A_90 = tpu.matmul %max3A_85, %get3A_88, %dot_general3A_89 {dimension_numbers = #tpu.dot_dimension_numbers<[1], [0], [0], [1], [0, 0, 1, 1], [], []>, transpose_lhs_hint = false} : vector<64x128xf32>, vector<128x128xf32>, vector<64x128xf32> -> vector<64x128xf32>
      %get3A_91 = arith.constant 0 : index
      %get3A_92 = arith.constant 0 : index
      %get3A_93 = vector.load %arg9[%get3A_91, %get3A_92] : memref<1x128xf32, #tpu.memory_space<vmem>>, vector<1x128xf32>
      %add3A_94 = vector.broadcast %get3A_93 : vector<1x128xf32> to vector<64x128xf32>
      %add3A_95 = arith.addf %dot_general3A_90, %add3A_94 : vector<64x128xf32>
      %swap3A_96 = arith.constant 0 : index
      %swap3A_97 = arith.constant 0 : index
      %swap3A_98 = vector.load %arg10[%swap3A_96, %swap3A_97] : memref<64x128xf32, #tpu.memory_space<vmem>>, vector<64x128xf32>
      tpu.vector_store %arg10[%swap3A_96, %swap3A_97], %add3A_95 {strides = array<i32>} : memref<64x128xf32, #tpu.memory_space<vmem>>, vector<64x128xf32>,
    } else {
    }
    return
  }
  func.func @transform_0(%arg0: i32) -> (i32, i32, i32) {
    %c0_i32 = arith.constant 0 : i32
    %c0_i32_0 = arith.constant 0 : i32
    %c0_i32_1 = arith.constant 0 : i32
    return %c0_i32, %arg0, %c0_i32_0 : i32, i32, i32
  }
  func.func @transform_1(%arg0: i32) -> (i32, i32) {
    %c0_i32 = arith.constant 0 : i32
    %c0_i32_0 = arith.constant 0 : i32
    return %arg0, %c0_i32 : i32, i32
  }
  func.func @transform_2(%arg0: i32) -> (i32, i32, i32) {
    %c0_i32 = arith.constant 0 : i32
    %c0_i32_0 = arith.constant 0 : i32
    %c0_i32_1 = arith.constant 0 : i32
    return %c0_i32, %arg0, %c0_i32_0 : i32, i32, i32
  }
  func.func @transform_3(%arg0: i32) -> (i32, i32) {
    %c0_i32 = arith.constant 0 : i32
    %c0_i32_0 = arith.constant 0 : i32
    %c0_i32_1 = arith.constant 0 : i32
    return %c0_i32, %c0_i32_0 : i32, i32
  }
  func.func @transform_4(%arg0: i32) -> (i32, i32, i32) {
    %c0_i32 = arith.constant 0 : i32
    %c0_i32_0 = arith.constant 0 : i32
    %c0_i32_1 = arith.constant 0 : i32
    return %arg0, %c0_i32, %c0_i32_0 : i32, i32, i32
  }
  func.func @transform_5(%arg0: i32) -> (i32, i32) {
    %c0_i32 = arith.constant 0 : i32
    %c0_i32_0 = arith.constant 0 : i32
    %c0_i32_1 = arith.constant 0 : i32
    return %c0_i32, %c0_i32_0 : i32, i32
  }
  func.func @transform_6(%arg0: i32) -> (i32, i32) {
    %c0_i32 = arith.constant 0 : i32
    %c0_i32_0 = arith.constant 0 : i32
    %c0_i32_1 = arith.constant 0 : i32
    return %c0_i32, %c0_i32_0 : i32, i32
  }
  func.func @transform_7(%arg0: i32) -> (i32, i32) {
    %c0_i32 = arith.constant 0 : i32
    %c0_i32_0 = arith.constant 0 : i32
    %c0_i32_1 = arith.constant 0 : i32
    return %c0_i32, %c0_i32_0 : i32, i32
  }
  func.func @transform_8(%arg0: i32) -> (i32, i32) {
    %c0_i32 = arith.constant 0 : i32
    %c0_i32_0 = arith.constant 0 : i32
    %c0_i32_1 = arith.constant 0 : i32
    return %c0_i32, %c0_i32_0 : i32, i32
  }
  func.func @transform_9(%arg0: i32) -> (i32, i32) {
    %c0_i32 = arith.constant 0 : i32
    %c0_i32_0 = arith.constant 0 : i32
    %c0_i32_1 = arith.constant 0 : i32
    return %c0_i32, %c0_i32_0 : i32, i32
  }
}

</mosaic_0001>

<sc_bundles>
// kernel: kernel.11.cloned.1.call-start
scs
__scs_entry_jumppad:
0x0: {  	(pc) =	sbr.rel $0x88, $3  }
0x1: {  	(tag) =	ssettag $0x0;
	lr =	simm.s32 $0x1  }
0x2: {  	[smem:$0x3F96] =	sst lr;
	_ =	strace $0xD0000000  }
0x3: {  	_ = 	snop  }
0x4: {  	_ = 	snop  }
0x5: {  	_ = 	snop  }
0x6: {  	_ = 	snop  }
0x7: {  	_ = 	snop  }
__scs_overlays_trampoline_lowered:
0x8: {  	[smem:$0x3FA5] =	sst s0  }
0x9: {  	[smem:$0x3FA6] =	sst s1  }
0xa: {  	[smem:$0x3FA7] =	sst s2  }
0xb: {  	[smem:$0x3FA8] =	sst s3  }
0xc: {  	[smem:$0x3FA9] =	sst s4  }
0xd: {  	[smem:$0x3FAA] =	sst s5  }
0xe: {  	[smem:$0x3FAB] =	sst s6  }
0xf: {  	[smem:$0x3FAC] =	sst s7  }
0x10: {  	[smem:$0x3FAD] =	sst s8  }
0x11: {  	[smem:$0x3FAE] =	sst s9;
	s0 =	simm.s32 @!p0 $0x0  }
0x12: {  	s1 =	sld [smem:$0x3F94];
	s0 =	simm.s32 @p0 $0x1  }
0x13: {  	[smem:$0x3FAF] =	sst s0;
	s0 =	simm.s32 @!p1 $0x0  }
0x14: {  	s2 =	sld [smem:$0x3F93];
	s0 =	simm.s32 @p1 $0x1  }
0x15: {  	[smem:$0x3FB0] =	sst s0;
	s0 =	simm.s32 @!p2 $0x0  }
0x16: {  	s3 =	sld [smem:$0x3FDB];
	s0 =	simm.s32 @p2 $0x1  }
0x17: {  	s4 =	simm.s32 $0x1BF5;
	[smem:$0x3FB2] =	sst s0  }
0x18: {  	s0 =	sld [smem:$0x3F95];
	_ =	swait.ge [sflag:s4], $0x0  }
0x19: {  	s7 =	sld [smem:$0x3F96]  }
0x1a: {  	s8 =	sadd.s32 $0xFFFFE003, lr  }
0x1b: {  	s9 =	sadd.s32 $0xFFFFFEF7, lr;
	s5 =	simm.s32 $0xFFFFFFFF;
	p2 =	slt.u32 s8, $0xFFFFF086  }
0x1c: {  	p1 =	slt.u32 s9, $0xF7A;
	s5 =	simm.s32 @!p2 $0x0  }
0x1d: {  	s5 =	simm.s32 @p1 $0x1;
	p0 =	seq.s32 s7, s2  }
0x1e: {  	s7 =	smul.u32 @!p0 $0xF7A, s2;
	p2 =	seq.s32 @!p0 s5, $0x0  }
0x1f: {  	s9 =	smul.u32 $0xF7A, s1;
	s8 =	simm.s32 @!p0 $0x1BF5;
	p2 =	por !p2, p0  }
0x20: {  	[sflag:s8] =	ssyncset.s32 @!p0 $0xFFFFF086;
	s6 =	sadd.s32 @!p0 s3, s7;
	s7 =	simm.s32 @!p0 $0x108  }
0x21: {  	s3 =	sadd.s32 s3, s9;
	s6 =	sadd.s32 @!p0 $0x88, s6;
	s7 =	simm.s32 @p2 $0x1082  }
0x22: {  	[simem:s7], [sflag:s8] =	dma.local @!p0 [hbm:s6], $0xF7A  }
0x23: {  	s9 =	sor.u32 $0xD0000000, s2;
	s6 =	simm.s32 $0x108;
	_ =	swait.ge @!p0 [sflag:s8], $0x0  }
0x24: {  	s3 =	sadd.s32 $0x88, s3;
	s6 =	simm.s32 @!p1 $0x1082;
	[sflag:s4] =	ssyncset.s32 $0xFFFFF086  }
0x25: {  	[simem:s6], [sflag:s4] =	dma.local [hbm:s3], $0xF7A  }
0x26: {  	[smem:$0x3F96] =	sst s1;
	(tag) =	ssettag s2;
	_ =	strace s9  }
0x27: {  	s1 =	sld [smem:$0x3FA6]  }
0x28: {  	s2 =	sld [smem:$0x3FA7]  }
0x29: {  	s4 =	sld [smem:$0x3FA9]  }
0x2a: {  	p0 =	seq.s32 s5, $0x0;
	s5 =	sld [smem:$0x3FAA]  }
0x2b: {  	s6 =	sld [smem:$0x3FAB]  }
0x2c: {  	s7 =	sld [smem:$0x3FAC]  }
0x2d: {  	s3 =	simm.s32 $0x108;
	s8 =	sld [smem:$0x3FAD]  }
0x2e: {  	s3 =	simm.s32 @!p0 $0x1082;
	s9 =	sld [smem:$0x3FAE]  }
0x2f: {  	lr =	sadd.s32 s0, s3;
	s0 =	sld [smem:$0x3FA5]  }
0x30: {  	s3 =	sld [smem:$0x3FA8]  }
0x31: {  	[smem:$0x3FB1] =	sst s10  }
0x32: {  	s10 =	sld [smem:$0x3FAF];
	_ =	sdelay $0x3  }
0x33: {  	p0 =	seq.s32 s10, $0x1;
	s10 =	sld [smem:$0x3FB1];
	_ =	sdelay $0x3  }
0x34: {  	[smem:$0x3FB1] =	sst s10  }
0x35: {  	s10 =	sld [smem:$0x3FB0];
	_ =	sdelay $0x3  }
0x36: {  	p1 =	seq.s32 s10, $0x1;
	s10 =	sld [smem:$0x3FB1];
	_ =	sdelay $0x3  }
0x37: {  	[smem:$0x3FB1] =	sst s10  }
0x38: {  	s10 =	sld [smem:$0x3FB2]  }
0x39: {  	_ = 	snop;
	(pc) =	sbr.ind lr, $3  }
0x3a: {  	_ = 	snop  }
0x3b: {  	_ = 	snop  }
0x3c: {  	p2 =	seq.s32 s10, $0x1;
	s10 =	sld [smem:$0x3FB1]  }
0x3d: {  	_ =	shalt  }
0x3e: {  	_ =	shalt  }
0x3f: {  	_ =	shalt  }
0x40: {  	_ =	shalt  }
0x41: {  	_ =	shalt  }
0x42: {  	_ =	shalt  }
0x43: {  	_ =	shalt  }
0x44: {  	_ =	shalt  }
0x45: {  	_ =	shalt  }
0x46: {  	_ =	shalt  }
0x47: {  	_ =	shalt  }
0x48: {  	_ =	shalt  }
0x49: {  	_ =	shalt  }
0x4a: {  	_ =	shalt  }
0x4b: {  	_ =	shalt  }
0x4c: {  	_ =	shalt  }
0x4d: {  	_ =	shalt  }
0x4e: {  	_ =	shalt  }
0x4f: {  	_ =	shalt  }
0x50: {  	_ =	shalt  }
0x51: {  	_ =	shalt  }
0x52: {  	_ =	shalt  }
0x53: {  	_ =	shalt  }
0x54: {  	_ =	shalt  }
0x55: {  	_ =	shalt  }
0x56: {  	_ =	shalt  }
0x57: {  	_ =	shalt  }
0x58: {  	_ =	shalt  }
0x59: {  	_ =	shalt  }
0x5a: {  	_ =	shalt  }
0x5b: {  	_ =	shalt  }
0x5c: {  	_ =	shalt  }
0x5d: {  	_ =	shalt  }
0x5e: {  	_ =	shalt  }
0x5f: {  	_ =	shalt  }
0x60: {  	_ =	shalt  }
0x61: {  	_ =	shalt  }
0x62: {  	_ =	shalt  }
0x63: {  	_ =	shalt  }
0x64: {  	_ =	shalt  }
0x65: {  	_ =	shalt  }
0x66: {  	_ =	shalt  }
0x67: {  	_ =	shalt  }
0x68: {  	_ =	shalt  }
0x69: {  	_ =	shalt  }
0x6a: {  	_ =	shalt  }
0x6b: {  	_ =	shalt  }
0x6c: {  	_ =	shalt  }
0x6d: {  	_ =	shalt  }
0x6e: {  	_ =	shalt  }
0x6f: {  	_ =	shalt  }
0x70: {  	_ =	shalt  }
0x71: {  	_ =	shalt  }
0x72: {  	_ =	shalt  }
0x73: {  	_ =	shalt  }
0x74: {  	_ =	shalt  }
0x75: {  	_ =	shalt  }
0x76: {  	_ =	shalt  }
0x77: {  	_ =	shalt  }
0x78: {  	_ =	shalt  }
0x79: {  	_ =	shalt  }
0x7a: {  	_ =	shalt  }
0x7b: {  	_ =	shalt  }
0x7c: {  	_ =	shalt  }
0x7d: {  	_ =	shalt  }
0x7e: {  	_ =	shalt  }
0x7f: {  	_ =	shalt  }
0x80: {  	_ =	shalt  }
0x81: {  	_ =	shalt  }
0x82: {  	_ =	shalt  }
0x83: {  	_ =	shalt  }
0x84: {  	_ =	shalt  }
0x85: {  	_ =	shalt  }
0x86: {  	_ =	shalt  }
0x87: {  	_ =	shalt  }
.Lfunc_end0:
.L_simem_size_0:
called_computation.1_lowered:
.L_overlay_start_0:
0x88: {  	s2 =	sld [smem:$0x3FD9]  }
0x89: {  	s3 =	sld [smem:$0x3FFE];
	_ =	sdelay $0x1  }
0x8a: {  	s1 =	srdreg.scid  }
0x8b: {  	s0 =	sand.u32 $0x1, s1  }
0x8c: {  	s16 =	sshll.u32 s0, $0xA;
	s2 =	sadd.s32 s3, s2  }
0x8d: {  	s2 =	sadd.s32 s2, s16  }
0x8e: {  	[smem:$0x3FBD] =	sst s2  }
0x8f: {  	_ = 	snop  }
0x90: {  	(tm) =	ssettm $0x1  }
0x91: {  	s17 =	sld [smem:$0x3FFB];
	_ =	sdelay $0x3  }
0x92: {  	_ =	strace s17  }
0x93: {  	s2 =	sld [smem:$0x3FFC];
	_ =	sdelay $0x3  }
0x94: {  	_ =	strace s2  }
0x95: {  	s2 =	sld [smem:$0x3FFD];
	_ =	sdelay $0x3  }
0x96: {  	_ =	strace s2  }
0x97: {  	_ =	strace $0x8FFFFFFF  }
0x98: {  	s18 =	sld [smem:$0x3FDB];
	_ =	sdelay $0x1  }
0x99: {  	s19 =	simm.s32 $_scs_section_size  }
0x9a: {  	s4 =	simm.s32 $_size__tile_overlayer_lowered;
	s5 =	simm.s32 $_tile_overlayer_lowered  }
0x9b: {  	s22 =	simm.s32 $0x1BFF;
	s21 =	sshll.u32 s5, $0x1;
	s2 =	sadd.s32 s19, s18  }
0x9c: {  	s6 =	simm.s32 $0x0;
	s20 =	sshll.u32 s4, $0x1;
	s4 =	sadd.s32 s21, s2  }
0x9d: {  	[timem:s6], [sflag:s22] =	dma.local [hbm:s4], s20  }
0x9e: {  	_ =	swait.ge [sflag:s22], s20  }
0x9f: {  	s3 =	ssub.s32 $0x0, s20;
	[sflag:s22] =	ssyncset.done $0x0  }
0xa0: {  	[sflag:s22] =	ssyncadd.s32 s3;
	_ =	sdelay $0x1  }
0xa1: {  	s23 =	simm.s32 $0x1B8B  }
0xa2: {  	_ =	swait.ge [sflag:s23], $0x1  }
0xa3: {  	[sflag:s23] =	ssyncset.done $0x0  }
0xa4: {  	s25 =	simm.s32 $0x1B8E;
	s24 =	sld [smem:$0x3FFE];
	[sflag:s23] =	ssyncadd.s32 $0xFFFFFFFF  }
0xa5: {  	s26 =	simm.s32 $execute0_lowered;
	[smem:$0x3FD2] =	sst s25  }
0xa6: {  	s4 =	sshll.u32 s26, $0x1;
	_ =	strace $0x80000049;
	[dreg:$0x1] =	wrdreg $0xFFFFFFFF  }
0xa7: {  	s28 =	simm.s32 $_size_execute0_lowered;
	s2 =	sadd.s32 s2, s4;
	[dreg:$0x0] =	wrdreg $0x0  }
0xa8: {  	s4 =	sshll.u32 s28, $0x1;
	[dreg:$0x2] =	wrdreg s2  }
0xa9: {  	[dreg:$0x3] =	wrdreg s4  }
0xaa: {  	[dreg:$0x4] =	wrdreg $0xC0  }
0xab: {  	_ =	task [dreg:s6], $0x5FFFF  }
0xac: {  	[dreg:$0x1] =	wrdreg $0xFFFFFFFF  }
0xad: {  	[dreg:$0x0] =	wrdreg $0x60  }
0xae: {  	[dreg:$0x2] =	wrdreg s24  }
0xaf: {  	[dreg:$0x3] =	wrdreg $0x91000  }
0xb0: {  	[dreg:$0x4] =	wrdreg $0x9  }
0xb1: {  	_ =	task.clear_ibuf [dreg:s6], $0x5FFFF;
	_ =	strace $0x90000049  }
0xb2: {  	s29 =	simm.s32 $0x9;
	_ =	strace $0x8000004B  }
0xb3: {  	_ =	swait.ge [sflag:s29], $0x1  }
0xb4: {  	[sflag:s29] =	ssyncadd.s32 $0xFFFFFFFF  }
0xb5: {  	_ =	strace $0x9000004B  }
0xb6: {  	_ =	sfence  }
0xb7: {  	s30 =	sld [smem:$0x0];
	_ =	sdelay $0x2  }
0xb8: {  	s31 =	sshll.u32 s1, $0xD;
	s1 =	sshrl.u32 s1, $0x2  }
0xb9: {  	s3 =	sand.u32 $0x4000, s31;
	s1 =	sadd.s32 s1, s30  }
0xba: {  	s0 =	sor.u32 s3, s0;
	s1 =	sshll.u32 s1, $0x11  }
0xbb: {  	s0 =	sor.u32 s1, s0  }
0xbc: {  	s0 =	sadd.s32 $0x8F2B, s0  }
0xbd: {  	[sflag:s0] =	ssyncadd.remote.s32 $0x1  }
0xbe: {  	_ =	sfence.sel $0xFFFF  }
0xbf: {  	[dreg:$0x0] =	wrdreg $0xFFFFFFFF;
	(pc) =	sbr.abs _section_cstart, $3  }
0xc0: {  	[dreg:$0x1] =	wrdreg $0xFFFFFFFF  }
0xc1: {  	_ =	task.clear_ibuf [dreg:s6], $0x2FFFF;
	_ =	strace $0x9FFFFFFF  }
0xc2: {  	(tm) =	ssettm $0x7FFFFFFF  }
0xc3: {  	_ =	shalt  }
tec
execute0_lowered:
.L_overlay_start_1:
0x0: {  	(tag) =	ssettag $0x1  }
0x1: {  	s7 =	rddreg [dreg:$0x0]  }
0x2: {  	s2 =	rddreg [dreg:$0x1];
	s3 =	srdreg.scid  }
0x3: {  	s0 =	stileid.u32;
	s17 =	simm.s32 $0x4000;
	s18 =	simm.s32 $0x50  }
0x4: {  	s19 =	simm.s32 $0x4100;
	s20 =	simm.s32 $0x2;
	s21 =	simm.s32 $0x4  }
0x5: {  	s22 =	simm.s32 $0x4080;
	s23 =	simm.s32 $0x6900;
	s24 =	simm.s32 $0x3  }
0x6: {  	s25 =	simm.s32 $0x5;
	s8 =	sand.u32 $0x1, s3;
	s10 =	smul.u32 $0x14000, s0  }
0x7: {  	s4 =	sshll.u32 s0, $0x1;
	s3 =	simm.s32 $0x0;
	s12 =	smul.u32 $0x50000, s0  }
0x8: {  	s29 =	smul.u32 $0x4E20, s0;
	s30 =	sshll.u32 s0, $0x6;
	s6 =	sor.u32 s8, s4  }
0x9: {  	s9 =	smul.u32 $0x140000, s8;
	[smem:$0x7FF] =	sst s3;
	s4 =	sadd.s32 $0x6F800, s7  }
0xa: {  	s28 =	ssub.s32 $0x2, s8;
	s8 =	smul.u32 $0x2710, s8;
	s5 =	sshll.u32 s6, $0xB  }
0xb: {  	_ =	strace $0x8000004A;
	s26 =	smul.u32 $0x2710, s6;
	s6 =	sadd.s32 $0xCA00, s7  }
0xc: {  	s14 =	sshrl.u32 s28, $0x1;
	s12 =	sshrl.u32 s12, $0x2;
	s11 =	sadd.s32 s5, s7  }
0xd: {  	s5 =	sadd.s32 $0x2C00, s7;
	s9 =	sadd.s32 s10, s9;
	s14 =	ssub.s32 s28, s14  }
0xe: {  	s15 =	sadd.s32 s12, s2;
	s16 =	sadd.s32 s8, s29;
	s8 =	sor.u32 $0x1C06, s30  }
0xf: {  	s9 =	sshrl.u32 s9, $0x3;
	s10 =	sshrl.u32 s26, $0x3;
	s31 =	sadd.s32 $0x50, s16  }
0x10: {  	s26 =	simm.s32 $0x0;
	s13 =	sadd.s32 s9, s7;
	s7 =	sadd.s32 $0x5F800, s11  }
0x11: {  	s9 =	sadd.s32 s5, s10;
	s11 =	smax.u32 s14, $0x1;
	s12 =	sshrl.u32 s31, $0x3  }
0x12: {  	s14 =	sshrl.u32 s15, $0x3;
	s15 =	simm.s32 $0x6;
	s10 =	sadd.s32 $0x96A00, s13  }
0x13: {  	s12 =	sadd.s32 s12, s5;
	s13 =	sadd.s32 $0xA0, s16;
	s16 =	simm.s32 $0x1  }
.LBB2_1:
0x14: {  	[tilespmem:s3], [sflag:$0x1] =	stream.linear.gather [hbm4b:s7+s3], $0x3E80, $0x38;
	[tilespmem:$0x1D100] =	vst v63  }
0x15: {  	[spmem:s14], [sflag:s8] =	dma.local [hbm:s6], $0x2800  }
0x16: {  	_ =	swait.ge [sflag:s15], $0x2800  }
0x17: {  	[sflag:s15] =	ssyncset.done $0x0  }
0x18: {  	[sflag:s15] =	ssyncadd.s32 $0xFFFFD800  }
0x19: {  	_ =	swait.ge [sflag:s16], $0x3E80  }
0x1a: {  	[sflag:s16] =	ssyncset.done $0x0  }
0x1b: {  	[sflag:s16] =	ssyncadd.s32 $0xFFFFC180  }
0x1c: {  	[bflag:$0x0] =	sbarrier.arrive $0xFFFF  }
0x1d: {  	[tilespmem:s17], [sflag:$0x2] =	stream.linear.gather [hbm4b:s9+s3], $0x50, $0x38;
	[tilespmem:$0x1D100] =	vst v63  }
0x1e: {  	_ = 	snop  }
0x1f: {  	[tilespmem:s19], [sflag:$0x4] =	stream.indirect.gather [hbm4b:s4+s18], $0x80, s3, s18, $0xb8;
	[tilespmem:$0x1D100] =	vst v63  }
0x20: {  	_ =	swait.ge [sflag:s20], $0x50  }
0x21: {  	[sflag:s20] =	ssyncset.done $0x0  }
0x22: {  	[sflag:s20] =	ssyncadd.s32 $0xFFFFFFB0  }
0x23: {  	_ =	swait.ge [sflag:s21], $0x2800  }
0x24: {  	[sflag:s21] =	ssyncset.done $0x0  }
0x25: {  	s28 =	sadd.s32 $0x0, s12;
	[sflag:s21] =	ssyncadd.s32 $0xFFFFD800  }
0x26: {  	[tilespmem:s22], [sflag:$0x3] =	stream.linear.gather [hbm4b:s28+s3], $0x50, $0x38;
	[tilespmem:$0x1D100] =	vst v63  }
0x27: {  	s28 =	simm.s32 $0x80  }
0x28: {  	[tilespmem:s23], [sflag:$0x5] =	stream.indirect.gather [hbm4b:s4+s18], $0x80, s28, s18, $0xb8;
	[tilespmem:$0x1D100] =	vst v63  }
0x29: {  	_ = 	snop  }
0x2a: {  	[spmem:s2] =	stream.indirect.scatter.add.f32 [tilespmem:s19], [sflag:$0x6], $0x80, s17, s18, $0xb8;
	[tilespmem:$0x1D100] =	vst v63  }
0x2b: {  	_ =	swait.ge [sflag:s15], $0x2800  }
0x2c: {  	[sflag:s15] =	ssyncset.done $0x0  }
0x2d: {  	[sflag:s15] =	ssyncadd.s32 $0xFFFFD800  }
0x2e: {  	_ =	swait.ge [sflag:s24], $0x50  }
0x2f: {  	[sflag:s24] =	ssyncset.done $0x0  }
0x30: {  	[sflag:s24] =	ssyncadd.s32 $0xFFFFFFB0  }
0x31: {  	_ =	swait.ge [sflag:s25], $0x2800  }
0x32: {  	s28 =	sshrl.u32 s13, $0x3;
	[sflag:s25] =	ssyncset.done $0x0  }
0x33: {  	s28 =	sadd.s32 s5, s28;
	[sflag:s25] =	ssyncadd.s32 $0xFFFFD800  }
0x34: {  	[tilespmem:s17], [sflag:$0x2] =	stream.linear.gather [hbm4b:s28+s3], $0x50, $0x38;
	[tilespmem:$0x1D100] =	vst v63  }
0x35: {  	s28 =	simm.s32 $0x100  }
0x36: {  	[tilespmem:s19], [sflag:$0x4] =	stream.indirect.gather [hbm4b:s4+s18], $0x80, s28, s18, $0xb8;
	[tilespmem:$0x1D100] =	vst v63  }
0x37: {  	_ = 	snop  }
0x38: {  	[spmem:s2] =	stream.indirect.scatter.add.f32 [tilespmem:s23], [sflag:$0x6], $0x80, s22, s18, $0xb8;
	[tilespmem:$0x1D100] =	vst v63  }
0x39: {  	_ =	swait.ge [sflag:s15], $0x2800  }
0x3a: {  	[sflag:s15] =	ssyncset.done $0x0  }
0x3b: {  	[sflag:s15] =	ssyncadd.s32 $0xFFFFD800  }
0x3c: {  	_ =	swait.ge [sflag:s20], $0x50  }
0x3d: {  	[sflag:s20] =	ssyncset.done $0x0  }
0x3e: {  	[sflag:s20] =	ssyncadd.s32 $0xFFFFFFB0  }
0x3f: {  	s30 =	simm.s32 $0x14;
	s31 =	simm.s32 $0x28;
	_ =	swait.ge [sflag:s21], $0x2800  }
0x40: {  	s29 =	sadd.s32 $0xA0, s13;
	s28 =	simm.s32 $0x180;
	[sflag:s21] =	ssyncset.done $0x0  }
.LBB2_2:
0x41: {  	s0 =	sadd.s32 s30, s12  }
0x42: {  	[sflag:s21] =	ssyncadd.s32 $0xFFFFD800;
	s30 =	smov.u32 s31;
	s1 =	sadd.s32 $0x14, s31  }
0x43: {  	[tilespmem:s22], [sflag:$0x3] =	stream.linear.gather [hbm4b:s0+s3], $0x50, $0x38;
	[tilespmem:$0x1D100] =	vst v63  }
0x44: {  	p0 =	sne.s32 s31, $0x4C4  }
0x45: {  	[tilespmem:s23], [sflag:$0x5] =	stream.indirect.gather [hbm4b:s4+s18], $0x80, s28, s18, $0xb8;
	[tilespmem:$0x1D100] =	vst v63  }
0x46: {  	_ = 	snop  }
0x47: {  	[spmem:s2] =	stream.indirect.scatter.add.f32 [tilespmem:s19], [sflag:$0x6], $0x80, s17, s18, $0xb8;
	[tilespmem:$0x1D100] =	vst v63  }
0x48: {  	_ =	swait.ge [sflag:s15], $0x2800  }
0x49: {  	[sflag:s15] =	ssyncset.done $0x0  }
0x4a: {  	[sflag:s15] =	ssyncadd.s32 $0xFFFFD800  }
0x4b: {  	_ =	swait.ge [sflag:s24], $0x50  }
0x4c: {  	[sflag:s24] =	ssyncset.done $0x0  }
0x4d: {  	[sflag:s24] =	ssyncadd.s32 $0xFFFFFFB0  }
0x4e: {  	_ =	swait.ge [sflag:s25], $0x2800  }
0x4f: {  	s0 =	sshrl.u32 s29, $0x3;
	[sflag:s25] =	ssyncset.done $0x0  }
0x50: {  	s0 =	sadd.s32 s5, s0;
	[sflag:s25] =	ssyncadd.s32 $0xFFFFD800  }
0x51: {  	[tilespmem:s17], [sflag:$0x2] =	stream.linear.gather [hbm4b:s0+s3], $0x50, $0x38;
	[tilespmem:$0x1D100] =	vst v63  }
0x52: {  	s0 =	sadd.s32 $0x80, s28  }
0x53: {  	[tilespmem:s19], [sflag:$0x4] =	stream.indirect.gather [hbm4b:s4+s18], $0x80, s0, s18, $0xb8;
	[tilespmem:$0x1D100] =	vst v63  }
0x54: {  	_ = 	snop  }
0x55: {  	[spmem:s2] =	stream.indirect.scatter.add.f32 [tilespmem:s23], [sflag:$0x6], $0x80, s22, s18, $0xb8;
	[tilespmem:$0x1D100] =	vst v63  }
0x56: {  	_ =	swait.ge [sflag:s15], $0x2800  }
0x57: {  	[sflag:s15] =	ssyncset.done $0x0  }
0x58: {  	[sflag:s15] =	ssyncadd.s32 $0xFFFFD800  }
.Ltmp0:
0x59: {  	_ =	swait.ge [sflag:s20], $0x50;
	(pc) =	sbr.rel @p0 .LBB2_2-.Ltmp0, $4  }
0x5a: {  	[sflag:s20] =	ssyncset.done $0x0  }
0x5b: {  	[sflag:s20] =	ssyncadd.s32 $0xFFFFFFB0  }
0x5c: {  	s29 =	sadd.s32 $0xA0, s29;
	_ =	swait.ge [sflag:s21], $0x2800  }
0x5d: {  	s31 =	smov.u32 s1;
	s28 =	sadd.s32 $0x100, s28;
	[sflag:s21] =	ssyncset.done $0x0  }
0x5e: {  	s0 =	sadd.s32 s30, s12;
	[sflag:s21] =	ssyncadd.s32 $0xFFFFD800  }
0x5f: {  	[tilespmem:s22], [sflag:$0x3] =	stream.linear.gather [hbm4b:s0+s3], $0x50, $0x38;
	[tilespmem:$0x1D100] =	vst v63  }
0x60: {  	_ = 	snop  }
0x61: {  	[tilespmem:s23], [sflag:$0x5] =	stream.indirect.gather [hbm4b:s4+s18], $0x80, s28, s18, $0xb8;
	[tilespmem:$0x1D100] =	vst v63  }
0x62: {  	_ = 	snop  }
0x63: {  	[spmem:s2] =	stream.indirect.scatter.add.f32 [tilespmem:s19], [sflag:$0x6], $0x80, s17, s18, $0xb8;
	[tilespmem:$0x1D100] =	vst v63  }
0x64: {  	_ =	swait.ge [sflag:s15], $0x2800  }
0x65: {  	[sflag:s15] =	ssyncset.done $0x0  }
0x66: {  	[sflag:s15] =	ssyncadd.s32 $0xFFFFD800  }
0x67: {  	_ =	swait.ge [sflag:s24], $0x50  }
0x68: {  	[sflag:s24] =	ssyncset.done $0x0  }
0x69: {  	[sflag:s24] =	ssyncadd.s32 $0xFFFFFFB0  }
0x6a: {  	_ =	swait.ge [sflag:s25], $0x2800  }
0x6b: {  	s30 =	sshrl.u32 s29, $0x3;
	[sflag:s25] =	ssyncset.done $0x0  }
0x6c: {  	s0 =	sadd.s32 s5, s30;
	[sflag:s25] =	ssyncadd.s32 $0xFFFFD800  }
0x6d: {  	[tilespmem:s17], [sflag:$0x2] =	stream.linear.gather [hbm4b:s0+s3], $0x50, $0x38;
	[tilespmem:$0x1D100] =	vst v63  }
0x6e: {  	s31 =	sadd.s32 $0x80, s28  }
0x6f: {  	[tilespmem:s19], [sflag:$0x4] =	stream.indirect.gather [hbm4b:s4+s18], $0x80, s31, s18, $0xb8;
	[tilespmem:$0x1D100] =	vst v63  }
0x70: {  	_ = 	snop  }
0x71: {  	[spmem:s2] =	stream.indirect.scatter.add.f32 [tilespmem:s23], [sflag:$0x6], $0x80, s22, s18, $0xb8;
	[tilespmem:$0x1D100] =	vst v63  }
0x72: {  	_ =	swait.ge [sflag:s15], $0x2800  }
0x73: {  	[sflag:s15] =	ssyncset.done $0x0  }
0x74: {  	[sflag:s15] =	ssyncadd.s32 $0xFFFFD800  }
0x75: {  	_ =	swait.ge [sflag:s20], $0x50  }
0x76: {  	[sflag:s20] =	ssyncset.done $0x0  }
0x77: {  	[sflag:s20] =	ssyncadd.s32 $0xFFFFFFB0  }
0x78: {  	_ =	swait.ge [sflag:s21], $0x2800  }
0x79: {  	[sflag:s21] =	ssyncset.done $0x0  }
0x7a: {  	[sflag:s21] =	ssyncadd.s32 $0xFFFFD800  }
0x7b: {  	[spmem:s2] =	stream.indirect.scatter.add.f32 [tilespmem:s19], [sflag:$0x6], $0x80, s17, s18, $0xb8;
	[tilespmem:$0x1D100] =	vst v63  }
0x7c: {  	_ =	swait.ge [sflag:s15], $0x2800  }
0x7d: {  	s26 =	sadd.s32 $0x1, s26;
	[sflag:s15] =	ssyncset.done $0x0  }
0x7e: {  	p0 =	sne.s32 s26, s11;
	[sflag:s15] =	ssyncadd.s32 $0xFFFFD800  }
.Ltmp1:
0x7f: {  	[bflag:$0x0] =	sbarrier.arrive $0xFFFF;
	(pc) =	sbr.rel @p0 .LBB2_1-.Ltmp1, $4  }
0x80: {  	[hbm:s10], [sflag:s8] =	dma.local [spmem:s14], $0x2800  }
0x81: {  	_ =	swait.ge [sflag:s15], $0x2800  }
0x82: {  	[sflag:s15] =	ssyncset.done $0x0  }
0x83: {  	[sflag:s15] =	ssyncadd.s32 $0xFFFFD800  }
0x84: {  	_ =	sfence.sel $0x180000  }
0x85: {  	[bflag:$0x0] =	sbarrier.arrive $0xFFFF  }
0x86: {  	_ =	strace $0x9000004A  }
0x87: {  	s0 =	stileid.u32;
	[bflag:$0x2] =	sbarrier.arrive $0xFFFF  }
0x88: {  	p0 =	sne.s32 s0, $0x0;
	s0 =	rddreg [dreg:$0x2]  }
0x89: {  	s0 =	sadd.s32 @!p0 $0x100000, s0  }
0x8a: {  	[sflag:s0] =	ssyncadd.tile.s32 @!p0 $0x1;
	_ =	shalt  }
.Lfunc_end2:
_tile_overlayer_lowered:
.L_overlay_start_2:
0x8b: {  	(tag) =	ssettag $0x2  }
0x8c: {  	s0 =	rddreg [dreg:$0x0];
	s2 =	stileid.u32  }
0x8d: {  	s1 =	rddreg [dreg:$0x1];
	p0 =	sne.s32 s2, $0x0  }
0x8e: {  	s3 =	rddreg [dreg:$0x2];
	[bflag:$0x3] =	sbarrier.arrive $0xFFFF;
	s2 =	simm.s32 @!p0 $0x1C06  }
0x8f: {  	[timem:s3], [sflag:s2] =	dma.local @!p0 [hbm:s0], s1  }
0x90: {  	s0 =	simm.s32 @!p0 $0x6  }
0x91: {  	_ =	swait.ge @!p0 [sflag:s0], s1  }
0x92: {  	s1 =	ssub.s32 @!p0 $0x0, s1;
	[sflag:s0] =	ssyncset.done @!p0 $0x0  }
0x93: {  	[sflag:s0] =	ssyncadd.s32 @!p0 s1  }
0x94: {  	[bflag:$0x3] =	sbarrier.arrive $0xFFFF  }
0x95: {  	_ =	shalt  }

// kernel: kernel.14.cloned.1.call-start
scs
__scs_entry_jumppad:
0x0: {  	(pc) =	sbr.rel $0x88, $3  }
0x1: {  	(tag) =	ssettag $0x0;
	lr =	simm.s32 $0x1  }
0x2: {  	[smem:$0x3F96] =	sst lr;
	_ =	strace $0xD0000000  }
0x3: {  	_ = 	snop  }
0x4: {  	_ = 	snop  }
0x5: {  	_ = 	snop  }
0x6: {  	_ = 	snop  }
0x7: {  	_ = 	snop  }
__scs_overlays_trampoline_lowered:
0x8: {  	[smem:$0x3FA5] =	sst s0  }
0x9: {  	[smem:$0x3FA6] =	sst s1  }
0xa: {  	[smem:$0x3FA7] =	sst s2  }
0xb: {  	[smem:$0x3FA8] =	sst s3  }
0xc: {  	[smem:$0x3FA9] =	sst s4  }
0xd: {  	[smem:$0x3FAA] =	sst s5  }
0xe: {  	[smem:$0x3FAB] =	sst s6  }
0xf: {  	[smem:$0x3FAC] =	sst s7  }
0x10: {  	[smem:$0x3FAD] =	sst s8  }
0x11: {  	[smem:$0x3FAE] =	sst s9;
	s0 =	simm.s32 @!p0 $0x0  }
0x12: {  	s1 =	sld [smem:$0x3F94];
	s0 =	simm.s32 @p0 $0x1  }
0x13: {  	[smem:$0x3FAF] =	sst s0;
	s0 =	simm.s32 @!p1 $0x0  }
0x14: {  	s2 =	sld [smem:$0x3F93];
	s0 =	simm.s32 @p1 $0x1  }
0x15: {  	[smem:$0x3FB0] =	sst s0;
	s0 =	simm.s32 @!p2 $0x0  }
0x16: {  	s3 =	sld [smem:$0x3FDB];
	s0 =	simm.s32 @p2 $0x1  }
0x17: {  	s4 =	simm.s32 $0x1BF5;
	[smem:$0x3FB2] =	sst s0  }
0x18: {  	s0 =	sld [smem:$0x3F95];
	_ =	swait.ge [sflag:s4], $0x0  }
0x19: {  	s7 =	sld [smem:$0x3F96]  }
0x1a: {  	s8 =	sadd.s32 $0xFFFFE003, lr  }
0x1b: {  	s9 =	sadd.s32 $0xFFFFFEF7, lr;
	s5 =	simm.s32 $0xFFFFFFFF;
	p2 =	slt.u32 s8, $0xFFFFF086  }
0x1c: {  	p1 =	slt.u32 s9, $0xF7A;
	s5 =	simm.s32 @!p2 $0x0  }
0x1d: {  	s5 =	simm.s32 @p1 $0x1;
	p0 =	seq.s32 s7, s2  }
0x1e: {  	s7 =	smul.u32 @!p0 $0xF7A, s2;
	p2 =	seq.s32 @!p0 s5, $0x0  }
0x1f: {  	s9 =	smul.u32 $0xF7A, s1;
	s8 =	simm.s32 @!p0 $0x1BF5;
	p2 =	por !p2, p0  }
0x20: {  	[sflag:s8] =	ssyncset.s32 @!p0 $0xFFFFF086;
	s6 =	sadd.s32 @!p0 s3, s7;
	s7 =	simm.s32 @!p0 $0x108  }
0x21: {  	s3 =	sadd.s32 s3, s9;
	s6 =	sadd.s32 @!p0 $0x88, s6;
	s7 =	simm.s32 @p2 $0x1082  }
0x22: {  	[simem:s7], [sflag:s8] =	dma.local @!p0 [hbm:s6], $0xF7A  }
0x23: {  	s9 =	sor.u32 $0xD0000000, s2;
	s6 =	simm.s32 $0x108;
	_ =	swait.ge @!p0 [sflag:s8], $0x0  }
0x24: {  	s3 =	sadd.s32 $0x88, s3;
	s6 =	simm.s32 @!p1 $0x1082;
	[sflag:s4] =	ssyncset.s32 $0xFFFFF086  }
0x25: {  	[simem:s6], [sflag:s4] =	dma.local [hbm:s3], $0xF7A  }
0x26: {  	[smem:$0x3F96] =	sst s1;
	(tag) =	ssettag s2;
	_ =	strace s9  }
0x27: {  	s1 =	sld [smem:$0x3FA6]  }
0x28: {  	s2 =	sld [smem:$0x3FA7]  }
0x29: {  	s4 =	sld [smem:$0x3FA9]  }
0x2a: {  	p0 =	seq.s32 s5, $0x0;
	s5 =	sld [smem:$0x3FAA]  }
0x2b: {  	s6 =	sld [smem:$0x3FAB]  }
0x2c: {  	s7 =	sld [smem:$0x3FAC]  }
0x2d: {  	s3 =	simm.s32 $0x108;
	s8 =	sld [smem:$0x3FAD]  }
0x2e: {  	s3 =	simm.s32 @!p0 $0x1082;
	s9 =	sld [smem:$0x3FAE]  }
0x2f: {  	lr =	sadd.s32 s0, s3;
	s0 =	sld [smem:$0x3FA5]  }
0x30: {  	s3 =	sld [smem:$0x3FA8]  }
0x31: {  	[smem:$0x3FB1] =	sst s10  }
0x32: {  	s10 =	sld [smem:$0x3FAF];
	_ =	sdelay $0x3  }
0x33: {  	p0 =	seq.s32 s10, $0x1;
	s10 =	sld [smem:$0x3FB1];
	_ =	sdelay $0x3  }
0x34: {  	[smem:$0x3FB1] =	sst s10  }
0x35: {  	s10 =	sld [smem:$0x3FB0];
	_ =	sdelay $0x3  }
0x36: {  	p1 =	seq.s32 s10, $0x1;
	s10 =	sld [smem:$0x3FB1];
	_ =	sdelay $0x3  }
0x37: {  	[smem:$0x3FB1] =	sst s10  }
0x38: {  	s10 =	sld [smem:$0x3FB2]  }
0x39: {  	_ = 	snop;
	(pc) =	sbr.ind lr, $3  }
0x3a: {  	_ = 	snop  }
0x3b: {  	_ = 	snop  }
0x3c: {  	p2 =	seq.s32 s10, $0x1;
	s10 =	sld [smem:$0x3FB1]  }
0x3d: {  	_ =	shalt  }
0x3e: {  	_ =	shalt  }
0x3f: {  	_ =	shalt  }
0x40: {  	_ =	shalt  }
0x41: {  	_ =	shalt  }
0x42: {  	_ =	shalt  }
0x43: {  	_ =	shalt  }
0x44: {  	_ =	shalt  }
0x45: {  	_ =	shalt  }
0x46: {  	_ =	shalt  }
0x47: {  	_ =	shalt  }
0x48: {  	_ =	shalt  }
0x49: {  	_ =	shalt  }
0x4a: {  	_ =	shalt  }
0x4b: {  	_ =	shalt  }
0x4c: {  	_ =	shalt  }
0x4d: {  	_ =	shalt  }
0x4e: {  	_ =	shalt  }
0x4f: {  	_ =	shalt  }
0x50: {  	_ =	shalt  }
0x51: {  	_ =	shalt  }
0x52: {  	_ =	shalt  }
0x53: {  	_ =	shalt  }
0x54: {  	_ =	shalt  }
0x55: {  	_ =	shalt  }
0x56: {  	_ =	shalt  }
0x57: {  	_ =	shalt  }
0x58: {  	_ =	shalt  }
0x59: {  	_ =	shalt  }
0x5a: {  	_ =	shalt  }
0x5b: {  	_ =	shalt  }
0x5c: {  	_ =	shalt  }
0x5d: {  	_ =	shalt  }
0x5e: {  	_ =	shalt  }
0x5f: {  	_ =	shalt  }
0x60: {  	_ =	shalt  }
0x61: {  	_ =	shalt  }
0x62: {  	_ =	shalt  }
0x63: {  	_ =	shalt  }
0x64: {  	_ =	shalt  }
0x65: {  	_ =	shalt  }
0x66: {  	_ =	shalt  }
0x67: {  	_ =	shalt  }
0x68: {  	_ =	shalt  }
0x69: {  	_ =	shalt  }
0x6a: {  	_ =	shalt  }
0x6b: {  	_ =	shalt  }
0x6c: {  	_ =	shalt  }
0x6d: {  	_ =	shalt  }
0x6e: {  	_ =	shalt  }
0x6f: {  	_ =	shalt  }
0x70: {  	_ =	shalt  }
0x71: {  	_ =	shalt  }
0x72: {  	_ =	shalt  }
0x73: {  	_ =	shalt  }
0x74: {  	_ =	shalt  }
0x75: {  	_ =	shalt  }
0x76: {  	_ =	shalt  }
0x77: {  	_ =	shalt  }
0x78: {  	_ =	shalt  }
0x79: {  	_ =	shalt  }
0x7a: {  	_ =	shalt  }
0x7b: {  	_ =	shalt  }
0x7c: {  	_ =	shalt  }
0x7d: {  	_ =	shalt  }
0x7e: {  	_ =	shalt  }
0x7f: {  	_ =	shalt  }
0x80: {  	_ =	shalt  }
0x81: {  	_ =	shalt  }
0x82: {  	_ =	shalt  }
0x83: {  	_ =	shalt  }
0x84: {  	_ =	shalt  }
0x85: {  	_ =	shalt  }
0x86: {  	_ =	shalt  }
0x87: {  	_ =	shalt  }
.Lfunc_end0:
.L_simem_size_0:
called_computation.2_lowered:
.L_overlay_start_0:
0x88: {  	s2 =	sld [smem:$0x3FD9]  }
0x89: {  	s3 =	sld [smem:$0x3FFE];
	_ =	sdelay $0x1  }
0x8a: {  	s1 =	srdreg.scid  }
0x8b: {  	s0 =	sand.u32 $0x1, s1  }
0x8c: {  	s16 =	sshll.u32 s0, $0xA;
	s2 =	sadd.s32 s3, s2  }
0x8d: {  	s2 =	sadd.s32 s2, s16  }
0x8e: {  	[smem:$0x3FBD] =	sst s2  }
0x8f: {  	_ = 	snop  }
0x90: {  	(tm) =	ssettm $0x1  }
0x91: {  	s17 =	sld [smem:$0x3FFB];
	_ =	sdelay $0x3  }
0x92: {  	_ =	strace s17  }
0x93: {  	s2 =	sld [smem:$0x3FFC];
	_ =	sdelay $0x3  }
0x94: {  	_ =	strace s2  }
0x95: {  	s2 =	sld [smem:$0x3FFD];
	_ =	sdelay $0x3  }
0x96: {  	_ =	strace s2  }
0x97: {  	_ =	strace $0x8FFFFFFF  }
0x98: {  	s18 =	sld [smem:$0x3FDB];
	_ =	sdelay $0x1  }
0x99: {  	s19 =	simm.s32 $_scs_section_size  }
0x9a: {  	s4 =	simm.s32 $_size__tile_overlayer_lowered;
	s5 =	simm.s32 $_tile_overlayer_lowered  }
0x9b: {  	s22 =	simm.s32 $0x1BFF;
	s21 =	sshll.u32 s5, $0x1;
	s2 =	sadd.s32 s19, s18  }
0x9c: {  	s6 =	simm.s32 $0x0;
	s20 =	sshll.u32 s4, $0x1;
	s4 =	sadd.s32 s21, s2  }
0x9d: {  	[timem:s6], [sflag:s22] =	dma.local [hbm:s4], s20  }
0x9e: {  	_ =	swait.ge [sflag:s22], s20  }
0x9f: {  	s3 =	ssub.s32 $0x0, s20;
	[sflag:s22] =	ssyncset.done $0x0  }
0xa0: {  	[sflag:s22] =	ssyncadd.s32 s3;
	_ =	sdelay $0x1  }
0xa1: {  	s23 =	simm.s32 $0x1B8B  }
0xa2: {  	_ =	swait.ge [sflag:s23], $0x1  }
0xa3: {  	[sflag:s23] =	ssyncset.done $0x0  }
0xa4: {  	s25 =	simm.s32 $0x1B8E;
	s24 =	sld [smem:$0x3FFE];
	[sflag:s23] =	ssyncadd.s32 $0xFFFFFFFF  }
0xa5: {  	s26 =	simm.s32 $execute0_lowered;
	[smem:$0x3FD2] =	sst s25  }
0xa6: {  	s4 =	sshll.u32 s26, $0x1;
	_ =	strace $0x8000004C;
	[dreg:$0x1] =	wrdreg $0xFFFFFFFF  }
0xa7: {  	s28 =	simm.s32 $_size_execute0_lowered;
	s2 =	sadd.s32 s2, s4;
	[dreg:$0x0] =	wrdreg $0x0  }
0xa8: {  	s4 =	sshll.u32 s28, $0x1;
	[dreg:$0x2] =	wrdreg s2  }
0xa9: {  	[dreg:$0x3] =	wrdreg s4  }
0xaa: {  	[dreg:$0x4] =	wrdreg $0xC0  }
0xab: {  	_ =	task [dreg:s6], $0x5FFFF  }
0xac: {  	[dreg:$0x1] =	wrdreg $0xFFFFFFFF  }
0xad: {  	[dreg:$0x0] =	wrdreg $0x60  }
0xae: {  	[dreg:$0x2] =	wrdreg s24  }
0xaf: {  	[dreg:$0x3] =	wrdreg $0x91000  }
0xb0: {  	[dreg:$0x4] =	wrdreg $0x9  }
0xb1: {  	_ =	task.clear_ibuf [dreg:s6], $0x5FFFF;
	_ =	strace $0x9000004C  }
0xb2: {  	s29 =	simm.s32 $0x9;
	_ =	strace $0x8000004E  }
0xb3: {  	_ =	swait.ge [sflag:s29], $0x1  }
0xb4: {  	[sflag:s29] =	ssyncadd.s32 $0xFFFFFFFF  }
0xb5: {  	_ =	strace $0x9000004E  }
0xb6: {  	_ =	sfence  }
0xb7: {  	s30 =	sld [smem:$0x0];
	_ =	sdelay $0x2  }
0xb8: {  	s31 =	sshll.u32 s1, $0xD;
	s1 =	sshrl.u32 s1, $0x2  }
0xb9: {  	s3 =	sand.u32 $0x4000, s31;
	s1 =	sadd.s32 s1, s30  }
0xba: {  	s0 =	sor.u32 s3, s0;
	s1 =	sshll.u32 s1, $0x11  }
0xbb: {  	s0 =	sor.u32 s1, s0  }
0xbc: {  	s0 =	sadd.s32 $0x8F2B, s0  }
0xbd: {  	[sflag:s0] =	ssyncadd.remote.s32 $0x1  }
0xbe: {  	_ =	sfence.sel $0xFFFF  }
0xbf: {  	[dreg:$0x0] =	wrdreg $0xFFFFFFFF;
	(pc) =	sbr.abs _section_cstart, $3  }
0xc0: {  	[dreg:$0x1] =	wrdreg $0xFFFFFFFF  }
0xc1: {  	_ =	task.clear_ibuf [dreg:s6], $0x2FFFF;
	_ =	strace $0x9FFFFFFF  }
0xc2: {  	(tm) =	ssettm $0x7FFFFFFF  }
0xc3: {  	_ =	shalt  }
tec
execute0_lowered:
.L_overlay_start_1:
0x0: {  	(tag) =	ssettag $0x1  }
0x1: {  	s7 =	rddreg [dreg:$0x0]  }
0x2: {  	s2 =	rddreg [dreg:$0x1];
	s3 =	srdreg.scid  }
0x3: {  	s0 =	stileid.u32;
	s17 =	simm.s32 $0x4000;
	s18 =	simm.s32 $0x50  }
0x4: {  	s19 =	simm.s32 $0x4100;
	s20 =	simm.s32 $0x2;
	s21 =	simm.s32 $0x4  }
0x5: {  	s22 =	simm.s32 $0x4080;
	s23 =	simm.s32 $0x6900;
	s24 =	simm.s32 $0x3  }
0x6: {  	s25 =	simm.s32 $0x5;
	s8 =	sand.u32 $0x1, s3;
	s10 =	smul.u32 $0x14000, s0  }
0x7: {  	s4 =	sshll.u32 s0, $0x1;
	s3 =	simm.s32 $0x0;
	s12 =	smul.u32 $0x50000, s0  }
0x8: {  	s29 =	smul.u32 $0x4E20, s0;
	s30 =	sshll.u32 s0, $0x6;
	s6 =	sor.u32 s8, s4  }
0x9: {  	s9 =	smul.u32 $0x140000, s8;
	[smem:$0x7FF] =	sst s3;
	s4 =	sadd.s32 $0x6F800, s7  }
0xa: {  	s28 =	ssub.s32 $0x2, s8;
	s8 =	smul.u32 $0x2710, s8;
	s5 =	sshll.u32 s6, $0xB  }
0xb: {  	_ =	strace $0x8000004D;
	s26 =	smul.u32 $0x2710, s6;
	s6 =	sadd.s32 $0xCA00, s7  }
0xc: {  	s14 =	sshrl.u32 s28, $0x1;
	s12 =	sshrl.u32 s12, $0x2;
	s11 =	sadd.s32 s5, s7  }
0xd: {  	s5 =	sadd.s32 $0x2C00, s7;
	s9 =	sadd.s32 s10, s9;
	s14 =	ssub.s32 s28, s14  }
0xe: {  	s15 =	sadd.s32 s12, s2;
	s16 =	sadd.s32 s8, s29;
	s8 =	sor.u32 $0x1C06, s30  }
0xf: {  	s9 =	sshrl.u32 s9, $0x3;
	s10 =	sshrl.u32 s26, $0x3;
	s31 =	sadd.s32 $0x50, s16  }
0x10: {  	s26 =	simm.s32 $0x0;
	s13 =	sadd.s32 s9, s7;
	s7 =	sadd.s32 $0x5F800, s11  }
0x11: {  	s9 =	sadd.s32 s5, s10;
	s11 =	smax.u32 s14, $0x1;
	s12 =	sshrl.u32 s31, $0x3  }
0x12: {  	s14 =	sshrl.u32 s15, $0x3;
	s15 =	simm.s32 $0x6;
	s10 =	sadd.s32 $0x96A00, s13  }
0x13: {  	s12 =	sadd.s32 s12, s5;
	s13 =	sadd.s32 $0xA0, s16;
	s16 =	simm.s32 $0x1  }
.LBB2_1:
0x14: {  	[tilespmem:s3], [sflag:$0x1] =	stream.linear.gather [hbm4b:s7+s3], $0x3E80, $0x38;
	[tilespmem:$0x1D100] =	vst v63  }
0x15: {  	[spmem:s14], [sflag:s8] =	dma.local [hbm:s6], $0x2800  }
0x16: {  	_ =	swait.ge [sflag:s15], $0x2800  }
0x17: {  	[sflag:s15] =	ssyncset.done $0x0  }
0x18: {  	[sflag:s15] =	ssyncadd.s32 $0xFFFFD800  }
0x19: {  	_ =	swait.ge [sflag:s16], $0x3E80  }
0x1a: {  	[sflag:s16] =	ssyncset.done $0x0  }
0x1b: {  	[sflag:s16] =	ssyncadd.s32 $0xFFFFC180  }
0x1c: {  	[bflag:$0x0] =	sbarrier.arrive $0xFFFF  }
0x1d: {  	[tilespmem:s17], [sflag:$0x2] =	stream.linear.gather [hbm4b:s9+s3], $0x50, $0x38;
	[tilespmem:$0x1D100] =	vst v63  }
0x1e: {  	_ = 	snop  }
0x1f: {  	[tilespmem:s19], [sflag:$0x4] =	stream.indirect.gather [hbm4b:s4+s18], $0x80, s3, s18, $0xb8;
	[tilespmem:$0x1D100] =	vst v63  }
0x20: {  	_ =	swait.ge [sflag:s20], $0x50  }
0x21: {  	[sflag:s20] =	ssyncset.done $0x0  }
0x22: {  	[sflag:s20] =	ssyncadd.s32 $0xFFFFFFB0  }
0x23: {  	_ =	swait.ge [sflag:s21], $0x2800  }
0x24: {  	[sflag:s21] =	ssyncset.done $0x0  }
0x25: {  	s28 =	sadd.s32 $0x0, s12;
	[sflag:s21] =	ssyncadd.s32 $0xFFFFD800  }
0x26: {  	[tilespmem:s22], [sflag:$0x3] =	stream.linear.gather [hbm4b:s28+s3], $0x50, $0x38;
	[tilespmem:$0x1D100] =	vst v63  }
0x27: {  	s28 =	simm.s32 $0x80  }
0x28: {  	[tilespmem:s23], [sflag:$0x5] =	stream.indirect.gather [hbm4b:s4+s18], $0x80, s28, s18, $0xb8;
	[tilespmem:$0x1D100] =	vst v63  }
0x29: {  	_ = 	snop  }
0x2a: {  	[spmem:s2] =	stream.indirect.scatter.add.f32 [tilespmem:s19], [sflag:$0x6], $0x80, s17, s18, $0xb8;
	[tilespmem:$0x1D100] =	vst v63  }
0x2b: {  	_ =	swait.ge [sflag:s15], $0x2800  }
0x2c: {  	[sflag:s15] =	ssyncset.done $0x0  }
0x2d: {  	[sflag:s15] =	ssyncadd.s32 $0xFFFFD800  }
0x2e: {  	_ =	swait.ge [sflag:s24], $0x50  }
0x2f: {  	[sflag:s24] =	ssyncset.done $0x0  }
0x30: {  	[sflag:s24] =	ssyncadd.s32 $0xFFFFFFB0  }
0x31: {  	_ =	swait.ge [sflag:s25], $0x2800  }
0x32: {  	s28 =	sshrl.u32 s13, $0x3;
	[sflag:s25] =	ssyncset.done $0x0  }
0x33: {  	s28 =	sadd.s32 s5, s28;
	[sflag:s25] =	ssyncadd.s32 $0xFFFFD800  }
0x34: {  	[tilespmem:s17], [sflag:$0x2] =	stream.linear.gather [hbm4b:s28+s3], $0x50, $0x38;
	[tilespmem:$0x1D100] =	vst v63  }
0x35: {  	s28 =	simm.s32 $0x100  }
0x36: {  	[tilespmem:s19], [sflag:$0x4] =	stream.indirect.gather [hbm4b:s4+s18], $0x80, s28, s18, $0xb8;
	[tilespmem:$0x1D100] =	vst v63  }
0x37: {  	_ = 	snop  }
0x38: {  	[spmem:s2] =	stream.indirect.scatter.add.f32 [tilespmem:s23], [sflag:$0x6], $0x80, s22, s18, $0xb8;
	[tilespmem:$0x1D100] =	vst v63  }
0x39: {  	_ =	swait.ge [sflag:s15], $0x2800  }
0x3a: {  	[sflag:s15] =	ssyncset.done $0x0  }
0x3b: {  	[sflag:s15] =	ssyncadd.s32 $0xFFFFD800  }
0x3c: {  	_ =	swait.ge [sflag:s20], $0x50  }
0x3d: {  	[sflag:s20] =	ssyncset.done $0x0  }
0x3e: {  	[sflag:s20] =	ssyncadd.s32 $0xFFFFFFB0  }
0x3f: {  	s30 =	simm.s32 $0x14;
	s31 =	simm.s32 $0x28;
	_ =	swait.ge [sflag:s21], $0x2800  }
0x40: {  	s29 =	sadd.s32 $0xA0, s13;
	s28 =	simm.s32 $0x180;
	[sflag:s21] =	ssyncset.done $0x0  }
.LBB2_2:
0x41: {  	s0 =	sadd.s32 s30, s12  }
0x42: {  	[sflag:s21] =	ssyncadd.s32 $0xFFFFD800;
	s30 =	smov.u32 s31;
	s1 =	sadd.s32 $0x14, s31  }
0x43: {  	[tilespmem:s22], [sflag:$0x3] =	stream.linear.gather [hbm4b:s0+s3], $0x50, $0x38;
	[tilespmem:$0x1D100] =	vst v63  }
0x44: {  	p0 =	sne.s32 s31, $0x4C4  }
0x45: {  	[tilespmem:s23], [sflag:$0x5] =	stream.indirect.gather [hbm4b:s4+s18], $0x80, s28, s18, $0xb8;
	[tilespmem:$0x1D100] =	vst v63  }
0x46: {  	_ = 	snop  }
0x47: {  	[spmem:s2] =	stream.indirect.scatter.add.f32 [tilespmem:s19], [sflag:$0x6], $0x80, s17, s18, $0xb8;
	[tilespmem:$0x1D100] =	vst v63  }
0x48: {  	_ =	swait.ge [sflag:s15], $0x2800  }
0x49: {  	[sflag:s15] =	ssyncset.done $0x0  }
0x4a: {  	[sflag:s15] =	ssyncadd.s32 $0xFFFFD800  }
0x4b: {  	_ =	swait.ge [sflag:s24], $0x50  }
0x4c: {  	[sflag:s24] =	ssyncset.done $0x0  }
0x4d: {  	[sflag:s24] =	ssyncadd.s32 $0xFFFFFFB0  }
0x4e: {  	_ =	swait.ge [sflag:s25], $0x2800  }
0x4f: {  	s0 =	sshrl.u32 s29, $0x3;
	[sflag:s25] =	ssyncset.done $0x0  }
0x50: {  	s0 =	sadd.s32 s5, s0;
	[sflag:s25] =	ssyncadd.s32 $0xFFFFD800  }
0x51: {  	[tilespmem:s17], [sflag:$0x2] =	stream.linear.gather [hbm4b:s0+s3], $0x50, $0x38;
	[tilespmem:$0x1D100] =	vst v63  }
0x52: {  	s0 =	sadd.s32 $0x80, s28  }
0x53: {  	[tilespmem:s19], [sflag:$0x4] =	stream.indirect.gather [hbm4b:s4+s18], $0x80, s0, s18, $0xb8;
	[tilespmem:$0x1D100] =	vst v63  }
0x54: {  	_ = 	snop  }
0x55: {  	[spmem:s2] =	stream.indirect.scatter.add.f32 [tilespmem:s23], [sflag:$0x6], $0x80, s22, s18, $0xb8;
	[tilespmem:$0x1D100] =	vst v63  }
0x56: {  	_ =	swait.ge [sflag:s15], $0x2800  }
0x57: {  	[sflag:s15] =	ssyncset.done $0x0  }
0x58: {  	[sflag:s15] =	ssyncadd.s32 $0xFFFFD800  }
.Ltmp0:
0x59: {  	_ =	swait.ge [sflag:s20], $0x50;
	(pc) =	sbr.rel @p0 .LBB2_2-.Ltmp0, $4  }
0x5a: {  	[sflag:s20] =	ssyncset.done $0x0  }
0x5b: {  	[sflag:s20] =	ssyncadd.s32 $0xFFFFFFB0  }
0x5c: {  	s29 =	sadd.s32 $0xA0, s29;
	_ =	swait.ge [sflag:s21], $0x2800  }
0x5d: {  	s31 =	smov.u32 s1;
	s28 =	sadd.s32 $0x100, s28;
	[sflag:s21] =	ssyncset.done $0x0  }
0x5e: {  	s0 =	sadd.s32 s30, s12;
	[sflag:s21] =	ssyncadd.s32 $0xFFFFD800  }
0x5f: {  	[tilespmem:s22], [sflag:$0x3] =	stream.linear.gather [hbm4b:s0+s3], $0x50, $0x38;
	[tilespmem:$0x1D100] =	vst v63  }
0x60: {  	_ = 	snop  }
0x61: {  	[tilespmem:s23], [sflag:$0x5] =	stream.indirect.gather [hbm4b:s4+s18], $0x80, s28, s18, $0xb8;
	[tilespmem:$0x1D100] =	vst v63  }
0x62: {  	_ = 	snop  }
0x63: {  	[spmem:s2] =	stream.indirect.scatter.add.f32 [tilespmem:s19], [sflag:$0x6], $0x80, s17, s18, $0xb8;
	[tilespmem:$0x1D100] =	vst v63  }
0x64: {  	_ =	swait.ge [sflag:s15], $0x2800  }
0x65: {  	[sflag:s15] =	ssyncset.done $0x0  }
0x66: {  	[sflag:s15] =	ssyncadd.s32 $0xFFFFD800  }
0x67: {  	_ =	swait.ge [sflag:s24], $0x50  }
0x68: {  	[sflag:s24] =	ssyncset.done $0x0  }
0x69: {  	[sflag:s24] =	ssyncadd.s32 $0xFFFFFFB0  }
0x6a: {  	_ =	swait.ge [sflag:s25], $0x2800  }
0x6b: {  	s30 =	sshrl.u32 s29, $0x3;
	[sflag:s25] =	ssyncset.done $0x0  }
0x6c: {  	s0 =	sadd.s32 s5, s30;
	[sflag:s25] =	ssyncadd.s32 $0xFFFFD800  }
0x6d: {  	[tilespmem:s17], [sflag:$0x2] =	stream.linear.gather [hbm4b:s0+s3], $0x50, $0x38;
	[tilespmem:$0x1D100] =	vst v63  }
0x6e: {  	s31 =	sadd.s32 $0x80, s28  }
0x6f: {  	[tilespmem:s19], [sflag:$0x4] =	stream.indirect.gather [hbm4b:s4+s18], $0x80, s31, s18, $0xb8;
	[tilespmem:$0x1D100] =	vst v63  }
0x70: {  	_ = 	snop  }
0x71: {  	[spmem:s2] =	stream.indirect.scatter.add.f32 [tilespmem:s23], [sflag:$0x6], $0x80, s22, s18, $0xb8;
	[tilespmem:$0x1D100] =	vst v63  }
0x72: {  	_ =	swait.ge [sflag:s15], $0x2800  }
0x73: {  	[sflag:s15] =	ssyncset.done $0x0  }
0x74: {  	[sflag:s15] =	ssyncadd.s32 $0xFFFFD800  }
0x75: {  	_ =	swait.ge [sflag:s20], $0x50  }
0x76: {  	[sflag:s20] =	ssyncset.done $0x0  }
0x77: {  	[sflag:s20] =	ssyncadd.s32 $0xFFFFFFB0  }
0x78: {  	_ =	swait.ge [sflag:s21], $0x2800  }
0x79: {  	[sflag:s21] =	ssyncset.done $0x0  }
0x7a: {  	[sflag:s21] =	ssyncadd.s32 $0xFFFFD800  }
0x7b: {  	[spmem:s2] =	stream.indirect.scatter.add.f32 [tilespmem:s19], [sflag:$0x6], $0x80, s17, s18, $0xb8;
	[tilespmem:$0x1D100] =	vst v63  }
0x7c: {  	_ =	swait.ge [sflag:s15], $0x2800  }
0x7d: {  	s26 =	sadd.s32 $0x1, s26;
	[sflag:s15] =	ssyncset.done $0x0  }
0x7e: {  	p0 =	sne.s32 s26, s11;
	[sflag:s15] =	ssyncadd.s32 $0xFFFFD800  }
.Ltmp1:
0x7f: {  	[bflag:$0x0] =	sbarrier.arrive $0xFFFF;
	(pc) =	sbr.rel @p0 .LBB2_1-.Ltmp1, $4  }
0x80: {  	[hbm:s10], [sflag:s8] =	dma.local [spmem:s14], $0x2800  }
0x81: {  	_ =	swait.ge [sflag:s15], $0x2800  }
0x82: {  	[sflag:s15] =	ssyncset.done $0x0  }
0x83: {  	[sflag:s15] =	ssyncadd.s32 $0xFFFFD800  }
0x84: {  	_ =	sfence.sel $0x180000  }
0x85: {  	[bflag:$0x0] =	sbarrier.arrive $0xFFFF  }
0x86: {  	_ =	strace $0x9000004D  }
0x87: {  	s0 =	stileid.u32;
	[bflag:$0x2] =	sbarrier.arrive $0xFFFF  }
0x88: {  	p0 =	sne.s32 s0, $0x0;
	s0 =	rddreg [dreg:$0x2]  }
0x89: {  	s0 =	sadd.s32 @!p0 $0x100000, s0  }
0x8a: {  	[sflag:s0] =	ssyncadd.tile.s32 @!p0 $0x1;
	_ =	shalt  }
.Lfunc_end2:
_tile_overlayer_lowered:
.L_overlay_start_2:
0x8b: {  	(tag) =	ssettag $0x2  }
0x8c: {  	s0 =	rddreg [dreg:$0x0];
	s2 =	stileid.u32  }
0x8d: {  	s1 =	rddreg [dreg:$0x1];
	p0 =	sne.s32 s2, $0x0  }
0x8e: {  	s3 =	rddreg [dreg:$0x2];
	[bflag:$0x3] =	sbarrier.arrive $0xFFFF;
	s2 =	simm.s32 @!p0 $0x1C06  }
0x8f: {  	[timem:s3], [sflag:s2] =	dma.local @!p0 [hbm:s0], s1  }
0x90: {  	s0 =	simm.s32 @!p0 $0x6  }
0x91: {  	_ =	swait.ge @!p0 [sflag:s0], s1  }
0x92: {  	s1 =	ssub.s32 @!p0 $0x0, s1;
	[sflag:s0] =	ssyncset.done @!p0 $0x0  }
0x93: {  	[sflag:s0] =	ssyncadd.s32 @!p0 s1  }
0x94: {  	[bflag:$0x3] =	sbarrier.arrive $0xFFFF  }
0x95: {  	_ =	shalt  }

// kernel: kernel.8.cloned.1.call-start
scs
__scs_entry_jumppad:
0x0: {  	(pc) =	sbr.rel $0x88, $3  }
0x1: {  	(tag) =	ssettag $0x0;
	lr =	simm.s32 $0x1  }
0x2: {  	[smem:$0x3F96] =	sst lr;
	_ =	strace $0xD0000000  }
0x3: {  	_ = 	snop  }
0x4: {  	_ = 	snop  }
0x5: {  	_ = 	snop  }
0x6: {  	_ = 	snop  }
0x7: {  	_ = 	snop  }
__scs_overlays_trampoline_lowered:
0x8: {  	[smem:$0x3FA5] =	sst s0  }
0x9: {  	[smem:$0x3FA6] =	sst s1  }
0xa: {  	[smem:$0x3FA7] =	sst s2  }
0xb: {  	[smem:$0x3FA8] =	sst s3  }
0xc: {  	[smem:$0x3FA9] =	sst s4  }
0xd: {  	[smem:$0x3FAA] =	sst s5  }
0xe: {  	[smem:$0x3FAB] =	sst s6  }
0xf: {  	[smem:$0x3FAC] =	sst s7  }
0x10: {  	[smem:$0x3FAD] =	sst s8  }
0x11: {  	[smem:$0x3FAE] =	sst s9;
	s0 =	simm.s32 @!p0 $0x0  }
0x12: {  	s1 =	sld [smem:$0x3F94];
	s0 =	simm.s32 @p0 $0x1  }
0x13: {  	[smem:$0x3FAF] =	sst s0;
	s0 =	simm.s32 @!p1 $0x0  }
0x14: {  	s2 =	sld [smem:$0x3F93];
	s0 =	simm.s32 @p1 $0x1  }
0x15: {  	[smem:$0x3FB0] =	sst s0;
	s0 =	simm.s32 @!p2 $0x0  }
0x16: {  	s3 =	sld [smem:$0x3FDB];
	s0 =	simm.s32 @p2 $0x1  }
0x17: {  	s4 =	simm.s32 $0x1BF5;
	[smem:$0x3FB2] =	sst s0  }
0x18: {  	s0 =	sld [smem:$0x3F95];
	_ =	swait.ge [sflag:s4], $0x0  }
0x19: {  	s7 =	sld [smem:$0x3F96]  }
0x1a: {  	s8 =	sadd.s32 $0xFFFFE003, lr  }
0x1b: {  	s9 =	sadd.s32 $0xFFFFFEF7, lr;
	s5 =	simm.s32 $0xFFFFFFFF;
	p2 =	slt.u32 s8, $0xFFFFF086  }
0x1c: {  	p1 =	slt.u32 s9, $0xF7A;
	s5 =	simm.s32 @!p2 $0x0  }
0x1d: {  	s5 =	simm.s32 @p1 $0x1;
	p0 =	seq.s32 s7, s2  }
0x1e: {  	s7 =	smul.u32 @!p0 $0xF7A, s2;
	p2 =	seq.s32 @!p0 s5, $0x0  }
0x1f: {  	s9 =	smul.u32 $0xF7A, s1;
	s8 =	simm.s32 @!p0 $0x1BF5;
	p2 =	por !p2, p0  }
0x20: {  	[sflag:s8] =	ssyncset.s32 @!p0 $0xFFFFF086;
	s6 =	sadd.s32 @!p0 s3, s7;
	s7 =	simm.s32 @!p0 $0x108  }
0x21: {  	s3 =	sadd.s32 s3, s9;
	s6 =	sadd.s32 @!p0 $0x88, s6;
	s7 =	simm.s32 @p2 $0x1082  }
0x22: {  	[simem:s7], [sflag:s8] =	dma.local @!p0 [hbm:s6], $0xF7A  }
0x23: {  	s9 =	sor.u32 $0xD0000000, s2;
	s6 =	simm.s32 $0x108;
	_ =	swait.ge @!p0 [sflag:s8], $0x0  }
0x24: {  	s3 =	sadd.s32 $0x88, s3;
	s6 =	simm.s32 @!p1 $0x1082;
	[sflag:s4] =	ssyncset.s32 $0xFFFFF086  }
0x25: {  	[simem:s6], [sflag:s4] =	dma.local [hbm:s3], $0xF7A  }
0x26: {  	[smem:$0x3F96] =	sst s1;
	(tag) =	ssettag s2;
	_ =	strace s9  }
0x27: {  	s1 =	sld [smem:$0x3FA6]  }
0x28: {  	s2 =	sld [smem:$0x3FA7]  }
0x29: {  	s4 =	sld [smem:$0x3FA9]  }
0x2a: {  	p0 =	seq.s32 s5, $0x0;
	s5 =	sld [smem:$0x3FAA]  }
0x2b: {  	s6 =	sld [smem:$0x3FAB]  }
0x2c: {  	s7 =	sld [smem:$0x3FAC]  }
0x2d: {  	s3 =	simm.s32 $0x108;
	s8 =	sld [smem:$0x3FAD]  }
0x2e: {  	s3 =	simm.s32 @!p0 $0x1082;
	s9 =	sld [smem:$0x3FAE]  }
0x2f: {  	lr =	sadd.s32 s0, s3;
	s0 =	sld [smem:$0x3FA5]  }
0x30: {  	s3 =	sld [smem:$0x3FA8]  }
0x31: {  	[smem:$0x3FB1] =	sst s10  }
0x32: {  	s10 =	sld [smem:$0x3FAF];
	_ =	sdelay $0x3  }
0x33: {  	p0 =	seq.s32 s10, $0x1;
	s10 =	sld [smem:$0x3FB1];
	_ =	sdelay $0x3  }
0x34: {  	[smem:$0x3FB1] =	sst s10  }
0x35: {  	s10 =	sld [smem:$0x3FB0];
	_ =	sdelay $0x3  }
0x36: {  	p1 =	seq.s32 s10, $0x1;
	s10 =	sld [smem:$0x3FB1];
	_ =	sdelay $0x3  }
0x37: {  	[smem:$0x3FB1] =	sst s10  }
0x38: {  	s10 =	sld [smem:$0x3FB2]  }
0x39: {  	_ = 	snop;
	(pc) =	sbr.ind lr, $3  }
0x3a: {  	_ = 	snop  }
0x3b: {  	_ = 	snop  }
0x3c: {  	p2 =	seq.s32 s10, $0x1;
	s10 =	sld [smem:$0x3FB1]  }
0x3d: {  	_ =	shalt  }
0x3e: {  	_ =	shalt  }
0x3f: {  	_ =	shalt  }
0x40: {  	_ =	shalt  }
0x41: {  	_ =	shalt  }
0x42: {  	_ =	shalt  }
0x43: {  	_ =	shalt  }
0x44: {  	_ =	shalt  }
0x45: {  	_ =	shalt  }
0x46: {  	_ =	shalt  }
0x47: {  	_ =	shalt  }
0x48: {  	_ =	shalt  }
0x49: {  	_ =	shalt  }
0x4a: {  	_ =	shalt  }
0x4b: {  	_ =	shalt  }
0x4c: {  	_ =	shalt  }
0x4d: {  	_ =	shalt  }
0x4e: {  	_ =	shalt  }
0x4f: {  	_ =	shalt  }
0x50: {  	_ =	shalt  }
0x51: {  	_ =	shalt  }
0x52: {  	_ =	shalt  }
0x53: {  	_ =	shalt  }
0x54: {  	_ =	shalt  }
0x55: {  	_ =	shalt  }
0x56: {  	_ =	shalt  }
0x57: {  	_ =	shalt  }
0x58: {  	_ =	shalt  }
0x59: {  	_ =	shalt  }
0x5a: {  	_ =	shalt  }
0x5b: {  	_ =	shalt  }
0x5c: {  	_ =	shalt  }
0x5d: {  	_ =	shalt  }
0x5e: {  	_ =	shalt  }
0x5f: {  	_ =	shalt  }
0x60: {  	_ =	shalt  }
0x61: {  	_ =	shalt  }
0x62: {  	_ =	shalt  }
0x63: {  	_ =	shalt  }
0x64: {  	_ =	shalt  }
0x65: {  	_ =	shalt  }
0x66: {  	_ =	shalt  }
0x67: {  	_ =	shalt  }
0x68: {  	_ =	shalt  }
0x69: {  	_ =	shalt  }
0x6a: {  	_ =	shalt  }
0x6b: {  	_ =	shalt  }
0x6c: {  	_ =	shalt  }
0x6d: {  	_ =	shalt  }
0x6e: {  	_ =	shalt  }
0x6f: {  	_ =	shalt  }
0x70: {  	_ =	shalt  }
0x71: {  	_ =	shalt  }
0x72: {  	_ =	shalt  }
0x73: {  	_ =	shalt  }
0x74: {  	_ =	shalt  }
0x75: {  	_ =	shalt  }
0x76: {  	_ =	shalt  }
0x77: {  	_ =	shalt  }
0x78: {  	_ =	shalt  }
0x79: {  	_ =	shalt  }
0x7a: {  	_ =	shalt  }
0x7b: {  	_ =	shalt  }
0x7c: {  	_ =	shalt  }
0x7d: {  	_ =	shalt  }
0x7e: {  	_ =	shalt  }
0x7f: {  	_ =	shalt  }
0x80: {  	_ =	shalt  }
0x81: {  	_ =	shalt  }
0x82: {  	_ =	shalt  }
0x83: {  	_ =	shalt  }
0x84: {  	_ =	shalt  }
0x85: {  	_ =	shalt  }
0x86: {  	_ =	shalt  }
0x87: {  	_ =	shalt  }
.Lfunc_end0:
.L_simem_size_0:
called_computation_lowered:
.L_overlay_start_0:
0x88: {  	s2 =	sld [smem:$0x3FD9]  }
0x89: {  	s3 =	sld [smem:$0x3FFE];
	_ =	sdelay $0x1  }
0x8a: {  	s1 =	srdreg.scid  }
0x8b: {  	s0 =	sand.u32 $0x1, s1  }
0x8c: {  	s16 =	sshll.u32 s0, $0xA;
	s2 =	sadd.s32 s3, s2  }
0x8d: {  	s2 =	sadd.s32 s2, s16  }
0x8e: {  	[smem:$0x3FBD] =	sst s2  }
0x8f: {  	_ = 	snop  }
0x90: {  	(tm) =	ssettm $0x1  }
0x91: {  	s17 =	sld [smem:$0x3FFB];
	_ =	sdelay $0x3  }
0x92: {  	_ =	strace s17  }
0x93: {  	s2 =	sld [smem:$0x3FFC];
	_ =	sdelay $0x3  }
0x94: {  	_ =	strace s2  }
0x95: {  	s2 =	sld [smem:$0x3FFD];
	_ =	sdelay $0x3  }
0x96: {  	_ =	strace s2  }
0x97: {  	_ =	strace $0x8FFFFFFF  }
0x98: {  	s18 =	sld [smem:$0x3FDB];
	_ =	sdelay $0x1  }
0x99: {  	s19 =	simm.s32 $_scs_section_size  }
0x9a: {  	s4 =	simm.s32 $_size__tile_overlayer_lowered;
	s5 =	simm.s32 $_tile_overlayer_lowered  }
0x9b: {  	s22 =	simm.s32 $0x1BFF;
	s21 =	sshll.u32 s5, $0x1;
	s2 =	sadd.s32 s19, s18  }
0x9c: {  	s6 =	simm.s32 $0x0;
	s20 =	sshll.u32 s4, $0x1;
	s4 =	sadd.s32 s21, s2  }
0x9d: {  	[timem:s6], [sflag:s22] =	dma.local [hbm:s4], s20  }
0x9e: {  	_ =	swait.ge [sflag:s22], s20  }
0x9f: {  	s3 =	ssub.s32 $0x0, s20;
	[sflag:s22] =	ssyncset.done $0x0  }
0xa0: {  	[sflag:s22] =	ssyncadd.s32 s3;
	_ =	sdelay $0x1  }
0xa1: {  	s23 =	simm.s32 $0x1B8B  }
0xa2: {  	_ =	swait.ge [sflag:s23], $0x1  }
0xa3: {  	[sflag:s23] =	ssyncset.done $0x0  }
0xa4: {  	s25 =	simm.s32 $0x1B8E;
	s24 =	sld [smem:$0x3FFE];
	[sflag:s23] =	ssyncadd.s32 $0xFFFFFFFF  }
0xa5: {  	s26 =	simm.s32 $execute0_lowered;
	[smem:$0x3FD2] =	sst s25  }
0xa6: {  	s4 =	sshll.u32 s26, $0x1;
	_ =	strace $0x80000046;
	[dreg:$0x1] =	wrdreg $0xFFFFFFFF  }
0xa7: {  	s28 =	simm.s32 $_size_execute0_lowered;
	s2 =	sadd.s32 s2, s4;
	[dreg:$0x0] =	wrdreg $0x0  }
0xa8: {  	s4 =	sshll.u32 s28, $0x1;
	[dreg:$0x2] =	wrdreg s2  }
0xa9: {  	[dreg:$0x3] =	wrdreg s4  }
0xaa: {  	[dreg:$0x4] =	wrdreg $0xC0  }
0xab: {  	_ =	task [dreg:s6], $0x5FFFF  }
0xac: {  	[dreg:$0x1] =	wrdreg $0xFFFFFFFF  }
0xad: {  	[dreg:$0x0] =	wrdreg $0x60  }
0xae: {  	[dreg:$0x2] =	wrdreg s24  }
0xaf: {  	[dreg:$0x3] =	wrdreg $0x29000  }
0xb0: {  	[dreg:$0x4] =	wrdreg $0x9  }
0xb1: {  	_ =	task.clear_ibuf [dreg:s6], $0x5FFFF;
	_ =	strace $0x90000046  }
0xb2: {  	s29 =	simm.s32 $0x9;
	_ =	strace $0x80000048  }
0xb3: {  	_ =	swait.ge [sflag:s29], $0x1  }
0xb4: {  	[sflag:s29] =	ssyncadd.s32 $0xFFFFFFFF  }
0xb5: {  	_ =	strace $0x90000048  }
0xb6: {  	_ =	sfence  }
0xb7: {  	s30 =	sld [smem:$0x0];
	_ =	sdelay $0x2  }
0xb8: {  	s31 =	sshll.u32 s1, $0xD;
	s1 =	sshrl.u32 s1, $0x2  }
0xb9: {  	s3 =	sand.u32 $0x4000, s31;
	s1 =	sadd.s32 s1, s30  }
0xba: {  	s0 =	sor.u32 s3, s0;
	s1 =	sshll.u32 s1, $0x11  }
0xbb: {  	s0 =	sor.u32 s1, s0  }
0xbc: {  	s0 =	sadd.s32 $0x8F2B, s0  }
0xbd: {  	[sflag:s0] =	ssyncadd.remote.s32 $0x1  }
0xbe: {  	_ =	sfence.sel $0xFFFF  }
0xbf: {  	[dreg:$0x0] =	wrdreg $0xFFFFFFFF;
	(pc) =	sbr.abs _section_cstart, $3  }
0xc0: {  	[dreg:$0x1] =	wrdreg $0xFFFFFFFF  }
0xc1: {  	_ =	task.clear_ibuf [dreg:s6], $0x2FFFF;
	_ =	strace $0x9FFFFFFF  }
0xc2: {  	(tm) =	ssettm $0x7FFFFFFF  }
0xc3: {  	_ =	shalt  }
tec
execute0_lowered:
.L_overlay_start_1:
0x0: {  	(tag) =	ssettag $0x1  }
0x1: {  	s7 =	rddreg [dreg:$0x0]  }
0x2: {  	s2 =	rddreg [dreg:$0x1];
	s3 =	srdreg.scid  }
0x3: {  	s0 =	rddreg [dreg:$0x2];
	s1 =	stileid.u32  }
0x4: {  	s15 =	simm.s32 $0x2800;
	s16 =	simm.s32 $0x1;
	s17 =	simm.s32 $0x2880  }
0x5: {  	s18 =	simm.s32 $0x50;
	s19 =	simm.s32 $0x2;
	s9 =	smul.u32 $0x14000, s1  }
0x6: {  	s20 =	simm.s32 $0x0;
	s6 =	sand.u32 $0x1, s3;
	s11 =	smul.u32 $0x50000, s1  }
0x7: {  	s3 =	simm.s32 $0x0;
	s4 =	sshll.u32 s1, $0x1;
	s12 =	smul.u32 $0x4E20, s1  }
0x8: {  	s5 =	sadd.s32 $0xF200, s7;
	s31 =	sshll.u32 s1, $0x6;
	s8 =	smul.u32 $0x140000, s6  }
0x9: {  	[smem:$0x7FF] =	sst s3;
	s4 =	sor.u32 s6, s4;
	s24 =	ssub.s32 $0x2, s6  }
0xa: {  	s14 =	smul.u32 $0x2710, s6;
	s6 =	sadd.s32 $0xCA00, s7;
	_ =	strace $0x80000047  }
0xb: {  	s10 =	smul.u32 $0x2710, s4;
	s4 =	sadd.s32 $0x2C00, s7;
	s13 =	sshrl.u32 s24, $0x1  }
0xc: {  	s25 =	sshrl.u32 s11, $0x2;
	s8 =	sadd.s32 s9, s8;
	s9 =	ssub.s32 s24, s13  }
0xd: {  	s26 =	sadd.s32 s14, s12;
	s28 =	sadd.s32 s25, s2;
	s12 =	simm.s32 $0x3  }
0xe: {  	s13 =	sor.u32 $0x1C03, s31;
	s8 =	sshrl.u32 s8, $0x3;
	s10 =	sshrl.u32 s10, $0x3  }
0xf: {  	s29 =	sadd.s32 $0x50, s26;
	s9 =	smax.u32 s9, $0x1;
	s14 =	sshrl.u32 s28, $0x3  }
0x10: {  	s8 =	sadd.s32 s8, s7;
	s7 =	sadd.s32 s4, s10;
	s30 =	sshrl.u32 s29, $0x3  }
0x11: {  	s10 =	sadd.s32 $0xA0, s26;
	s8 =	sadd.s32 $0xF800, s8;
	s11 =	sadd.s32 s30, s4  }
.LBB2_1:
0x12: {  	[tilespmem:s3], [sflag:$0x3] =	stream.linear.gather [hbm4b:s5+s3], $0x2800, $0x38;
	[tilespmem:$0x16900] =	vst v63  }
0x13: {  	_ =	swait.ge [sflag:s12], $0x2800  }
0x14: {  	[sflag:s12] =	ssyncset.done $0x0  }
0x15: {  	[sflag:s12] =	ssyncadd.s32 $0xFFFFD800  }
0x16: {  	[spmem:s14], [sflag:s13] =	dma.local [hbm:s6], $0x2800  }
0x17: {  	_ =	swait.ge [sflag:s12], $0x2800  }
0x18: {  	[sflag:s12] =	ssyncset.done $0x0  }
0x19: {  	[sflag:s12] =	ssyncadd.s32 $0xFFFFD800  }
0x1a: {  	[bflag:$0x0] =	sbarrier.arrive $0xFFFF  }
0x1b: {  	[tilespmem:s15], [sflag:$0x1] =	stream.linear.gather [hbm4b:s7+s3], $0x50, $0x38;
	[tilespmem:$0x16900] =	vst v63  }
0x1c: {  	_ =	swait.ge [sflag:s16], $0x50  }
0x1d: {  	[sflag:s16] =	ssyncset.done $0x0  }
0x1e: {  	s21 =	sadd.s32 $0x0, s11;
	[sflag:s16] =	ssyncadd.s32 $0xFFFFFFB0  }
0x1f: {  	[tilespmem:s17], [sflag:$0x2] =	stream.linear.gather [hbm4b:s21+s3], $0x50, $0x38;
	[tilespmem:$0x16900] =	vst v63  }
0x20: {  	_ = 	snop  }
0x21: {  	[spmem:s2] =	stream.indirect.scatter.add.f32 [tilespmem:s3], [sflag:$0x3], $0x80, s15, s18, $0xb8;
	[tilespmem:$0x16900] =	vst v63  }
0x22: {  	_ =	swait.ge [sflag:s12], $0x2800  }
0x23: {  	[sflag:s12] =	ssyncset.done $0x0  }
0x24: {  	[sflag:s12] =	ssyncadd.s32 $0xFFFFD800  }
0x25: {  	_ =	swait.ge [sflag:s19], $0x50  }
0x26: {  	s31 =	sshrl.u32 s10, $0x3;
	[sflag:s19] =	ssyncset.done $0x0  }
0x27: {  	s21 =	sadd.s32 s4, s31;
	[sflag:s19] =	ssyncadd.s32 $0xFFFFFFB0  }
0x28: {  	[tilespmem:s15], [sflag:$0x1] =	stream.linear.gather [hbm4b:s21+s3], $0x50, $0x38;
	[tilespmem:$0x16900] =	vst v63  }
0x29: {  	_ = 	snop  }
0x2a: {  	[spmem:s2] =	stream.indirect.scatter.add.f32 [tilespmem:s3], [sflag:$0x3], $0x80, s17, s18, $0xb8;
	[tilespmem:$0x16900] =	vst v63  }
0x2b: {  	_ =	swait.ge [sflag:s12], $0x2800  }
0x2c: {  	[sflag:s12] =	ssyncset.done $0x0  }
0x2d: {  	[sflag:s12] =	ssyncadd.s32 $0xFFFFD800  }
0x2e: {  	s22 =	simm.s32 $0x14;
	_ =	swait.ge [sflag:s16], $0x50  }
0x2f: {  	s23 =	simm.s32 $0x28;
	s21 =	sadd.s32 $0xA0, s10;
	[sflag:s16] =	ssyncset.done $0x0  }
.LBB2_2:
0x30: {  	s24 =	sadd.s32 s22, s11  }
0x31: {  	[sflag:s16] =	ssyncadd.s32 $0xFFFFFFB0;
	s22 =	smov.u32 s23;
	s25 =	sadd.s32 $0x14, s23  }
0x32: {  	[tilespmem:s17], [sflag:$0x2] =	stream.linear.gather [hbm4b:s24+s3], $0x50, $0x38;
	[tilespmem:$0x16900] =	vst v63  }
0x33: {  	p0 =	sne.s32 s23, $0x4C4  }
0x34: {  	[spmem:s2] =	stream.indirect.scatter.add.f32 [tilespmem:s3], [sflag:$0x3], $0x80, s15, s18, $0xb8;
	[tilespmem:$0x16900] =	vst v63  }
0x35: {  	_ =	swait.ge [sflag:s12], $0x2800  }
0x36: {  	[sflag:s12] =	ssyncset.done $0x0  }
0x37: {  	[sflag:s12] =	ssyncadd.s32 $0xFFFFD800  }
0x38: {  	_ =	swait.ge [sflag:s19], $0x50  }
0x39: {  	s23 =	sshrl.u32 s21, $0x3;
	[sflag:s19] =	ssyncset.done $0x0  }
0x3a: {  	s23 =	sadd.s32 s4, s23;
	[sflag:s19] =	ssyncadd.s32 $0xFFFFFFB0  }
0x3b: {  	[tilespmem:s15], [sflag:$0x1] =	stream.linear.gather [hbm4b:s23+s3], $0x50, $0x38;
	[tilespmem:$0x16900] =	vst v63  }
0x3c: {  	_ = 	snop  }
0x3d: {  	[spmem:s2] =	stream.indirect.scatter.add.f32 [tilespmem:s3], [sflag:$0x3], $0x80, s17, s18, $0xb8;
	[tilespmem:$0x16900] =	vst v63  }
.Ltmp0:
0x3e: {  	_ =	swait.ge [sflag:s12], $0x2800;
	(pc) =	sbr.rel @p0 .LBB2_2-.Ltmp0, $4  }
0x3f: {  	[sflag:s12] =	ssyncset.done $0x0  }
0x40: {  	[sflag:s12] =	ssyncadd.s32 $0xFFFFD800  }
0x41: {  	_ =	swait.ge [sflag:s16], $0x50  }
0x42: {  	s21 =	sadd.s32 $0xA0, s21;
	s23 =	smov.u32 s25;
	[sflag:s16] =	ssyncset.done $0x0  }
0x43: {  	s22 =	sadd.s32 s22, s11;
	[sflag:s16] =	ssyncadd.s32 $0xFFFFFFB0  }
0x44: {  	[tilespmem:s17], [sflag:$0x2] =	stream.linear.gather [hbm4b:s22+s3], $0x50, $0x38;
	[tilespmem:$0x16900] =	vst v63  }
0x45: {  	_ = 	snop  }
0x46: {  	[spmem:s2] =	stream.indirect.scatter.add.f32 [tilespmem:s3], [sflag:$0x3], $0x80, s15, s18, $0xb8;
	[tilespmem:$0x16900] =	vst v63  }
0x47: {  	_ =	swait.ge [sflag:s12], $0x2800  }
0x48: {  	[sflag:s12] =	ssyncset.done $0x0  }
0x49: {  	[sflag:s12] =	ssyncadd.s32 $0xFFFFD800  }
0x4a: {  	_ =	swait.ge [sflag:s19], $0x50  }
0x4b: {  	s21 =	sshrl.u32 s21, $0x3;
	[sflag:s19] =	ssyncset.done $0x0  }
0x4c: {  	s21 =	sadd.s32 s4, s21;
	[sflag:s19] =	ssyncadd.s32 $0xFFFFFFB0  }
0x4d: {  	[tilespmem:s15], [sflag:$0x1] =	stream.linear.gather [hbm4b:s21+s3], $0x50, $0x38;
	[tilespmem:$0x16900] =	vst v63  }
0x4e: {  	_ = 	snop  }
0x4f: {  	[spmem:s2] =	stream.indirect.scatter.add.f32 [tilespmem:s3], [sflag:$0x3], $0x80, s17, s18, $0xb8;
	[tilespmem:$0x16900] =	vst v63  }
0x50: {  	_ =	swait.ge [sflag:s12], $0x2800  }
0x51: {  	[sflag:s12] =	ssyncset.done $0x0  }
0x52: {  	[sflag:s12] =	ssyncadd.s32 $0xFFFFD800  }
0x53: {  	_ =	swait.ge [sflag:s16], $0x50  }
0x54: {  	[sflag:s16] =	ssyncset.done $0x0  }
0x55: {  	[sflag:s16] =	ssyncadd.s32 $0xFFFFFFB0  }
0x56: {  	[spmem:s2] =	stream.indirect.scatter.add.f32 [tilespmem:s3], [sflag:$0x3], $0x80, s15, s18, $0xb8;
	[tilespmem:$0x16900] =	vst v63  }
0x57: {  	_ =	swait.ge [sflag:s12], $0x2800  }
0x58: {  	s20 =	sadd.s32 $0x1, s20;
	[sflag:s12] =	ssyncset.done $0x0  }
0x59: {  	p0 =	sne.s32 s20, s9;
	[sflag:s12] =	ssyncadd.s32 $0xFFFFD800  }
.Ltmp1:
0x5a: {  	[bflag:$0x0] =	sbarrier.arrive $0xFFFF;
	(pc) =	sbr.rel @p0 .LBB2_1-.Ltmp1, $4  }
0x5b: {  	[hbm:s8], [sflag:s13] =	dma.local [spmem:s14], $0x2800  }
0x5c: {  	_ =	swait.ge [sflag:s12], $0x2800  }
0x5d: {  	[sflag:s12] =	ssyncset.done $0x0  }
0x5e: {  	[sflag:s12] =	ssyncadd.s32 $0xFFFFD800  }
0x5f: {  	_ =	sfence.sel $0x180000  }
0x60: {  	[bflag:$0x0] =	sbarrier.arrive $0xFFFF  }
0x61: {  	p0 =	sne.s32 s1, $0x0;
	_ =	strace $0x90000047  }
0x62: {  	s0 =	sadd.s32 @!p0 $0x100000, s0;
	[bflag:$0x2] =	sbarrier.arrive $0xFFFF  }
0x63: {  	[sflag:s0] =	ssyncadd.tile.s32 @!p0 $0x1;
	_ =	shalt  }
.Lfunc_end2:
_tile_overlayer_lowered:
.L_overlay_start_2:
0x64: {  	(tag) =	ssettag $0x2  }
0x65: {  	s0 =	rddreg [dreg:$0x0];
	s2 =	stileid.u32  }
0x66: {  	s1 =	rddreg [dreg:$0x1];
	p0 =	sne.s32 s2, $0x0  }
0x67: {  	s3 =	rddreg [dreg:$0x2];
	[bflag:$0x3] =	sbarrier.arrive $0xFFFF;
	s2 =	simm.s32 @!p0 $0x1C03  }
0x68: {  	[timem:s3], [sflag:s2] =	dma.local @!p0 [hbm:s0], s1  }
0x69: {  	s0 =	simm.s32 @!p0 $0x3  }
0x6a: {  	_ =	swait.ge @!p0 [sflag:s0], s1  }
0x6b: {  	s1 =	ssub.s32 @!p0 $0x0, s1;
	[sflag:s0] =	ssyncset.done @!p0 $0x0  }
0x6c: {  	[sflag:s0] =	ssyncadd.s32 @!p0 s1  }
0x6d: {  	[bflag:$0x3] =	sbarrier.arrive $0xFFFF  }
0x6e: {  	_ =	shalt  }

</sc_bundles>
